<compile_context>
chip_gen: v7x
topology: tpu7x:2x2x1
jax: 0.10.2.dev20260603
libtpu: 0.0.44.dev20260713+nightly
codegen_flags: <defaults>
</compile_context>

<pallas_src>
import jax
import jax.numpy as jnp
from jax import lax
from jax.experimental import pallas as pl
from jax.experimental.pallas import tpu as pltpu
from jax.experimental.pallas import tpu_sc as plsc

_BASE_PRUNING_RATIO = 0.1
_NUM_LAYERS = 24

_NC = 2
_NS = 16
_NW = _NC * _NS
_L = 16


def _fused_body(nk_ref, x_ref, y_ref, s_ref, ut_ref, c_ref, acc_ref):
    i = pl.program_id(0)
    nsb = pl.num_programs(0)

    xb = x_ref[...]
    y_ref[...] = xb
    Bb, SBb, _ = xb.shape
    ssum = jnp.sum(xb * xb, axis=-1)
    sbits = lax.bitcast_convert_type(jnp.sqrt(ssum), jnp.int32)
    s_ref[...] = sbits
    acc_ref[:, pl.ds(i * SBb, SBb)] = sbits

    @pl.when(i == nsb - 1)
    def _select():
        _select_math(nk_ref[0], acc_ref[...], ut_ref, c_ref)


def _select_math(k, u, ut_ref, c_ref):
    ut, c = _select_arrays(k, u)
    B = u.shape[0]
    ut_ref[...] = jnp.broadcast_to(ut, (B, _L))
    c_ref[...] = jnp.broadcast_to(c, (B, _L))


def _select_arrays(k, u):
    B, S = u.shape
    umax = jnp.max(u, axis=-1, keepdims=True)
    umin = jnp.min(u, axis=-1, keepdims=True)
    diff = umax ^ umin
    dbits = lax.bitcast_convert_type(diff.astype(jnp.float32), jnp.int32)
    p = jnp.where(diff > 0, jnp.minimum((dbits >> 23) - 127, 30), -1)
    cur = umax & ~((2 << jnp.maximum(p, 0)) - 1)
    cur = jnp.where(diff > 0, cur, umax)

    def vbody(t, cur):
        bit = p - t
        active = bit >= 0
        cand = cur | jnp.where(active, 1 << jnp.maximum(bit, 0), 0)
        cnt = jnp.sum((u >= cand).astype(jnp.int32), axis=-1, keepdims=True)
        return jnp.where(active & (cnt >= k), cand, cur)

    ut = lax.fori_loop(0, jnp.max(p) + 1, vbody, cur)

    cnt_gt = jnp.sum((u > ut).astype(jnp.int32), axis=-1, keepdims=True)
    m = k - cnt_gt
    eq = u == ut
    idx = lax.broadcasted_iota(jnp.int32, u.shape, 1)
    cnt_eq = jnp.sum(eq.astype(jnp.int32), axis=-1, keepdims=True)
    c_first = jnp.min(jnp.where(eq, idx, S), axis=-1, keepdims=True)
    searching = (m > 1) & (m < cnt_eq)
    c = jnp.where(m >= cnt_eq, S - 1, c_first)

    def cbody(t, curc):
        cand = curc + (1 << 12 >> t)
        cnt = jnp.sum((eq & (idx < cand)).astype(jnp.int32), axis=-1,
                      keepdims=True)
        return jnp.where(searching & (cnt < m), cand, curc)

    nc = jnp.where(jnp.any(searching), 13, 0)
    c = lax.fori_loop(0, nc, cbody, jnp.where(searching, 0, c))
    return ut, c


def _make_sc_zero(B, S, D, chunk):
    ngroups = chunk // _L
    nlist = chunk + 2 * _L

    mesh = plsc.VectorSubcoreMesh(core_axis_name="c", subcore_axis_name="s")

    @pl.kernel(
        mesh=mesh,
        out_type=(),
        compiler_params=pltpu.CompilerParams(needs_layout_passes=False),
        scratch_types=[
            pltpu.VMEM((chunk,), jnp.int32),
            pltpu.VMEM((nlist,), jnp.int32),
            pltpu.VMEM((_L, D), jnp.float32),
            pltpu.VMEM((_L,), jnp.int32),
            pltpu.VMEM((_L,), jnp.int32),
            pltpu.SemaphoreType.DMA,
            pltpu.SemaphoreType.DMA,
        ],
    )
    def sc_zero(y_ref, s_ref, ut_ref, c_ref, keys_v, idx_v, zeros_v,
                ut_v, c_v, sem, sem2):
        cid = lax.axis_index("c")
        sid = lax.axis_index("s")
        wid = sid * _NC + cid
        nchunks = S // chunk
        b = wid // nchunks
        base = (wid % nchunks) * chunk

        stage_s = pltpu.make_async_copy(s_ref.at[b, pl.ds(base, chunk)],
                                        keys_v, sem)
        stage_ut = pltpu.make_async_copy(ut_ref.at[b], ut_v, sem2)
        stage_c = pltpu.make_async_copy(c_ref.at[b], c_v, sem2)
        stage_s.start()
        stage_ut.start()
        stage_c.start()

        zvec = jnp.zeros((_L,), jnp.float32)

        @pl.loop(0, D // _L)
        def _zero_fill(i):
            for r in range(_L):
                zeros_v[r, pl.ds(i * _L, _L)] = zvec

        stage_s.wait()
        stage_ut.wait()
        stage_c.wait()
        utv = ut_v[...]
        cv = c_v[...]

        lane = lax.iota(jnp.int32, _L)

        def _compact(g, off):
            u = keys_v[pl.ds(g * _L, _L)]
            tok = base + g * _L + lane
            keep = (u > utv) | ((u == utv) & (tok <= cv))
            pr = jnp.logical_not(keep)
            _, srt_v = plsc.sort_key_val(keep.astype(jnp.int32), b * S + tok,
                                         descending=False)
            idx_v[pl.ds(off, _L)] = srt_v
            cntv = plsc.all_reduce_population_count(pr)
            return off + cntv[0]

        off = lax.fori_loop(0, ngroups, _compact, jnp.asarray(0, jnp.int32))

        first = idx_v[pl.ds(0, _L)]
        firstv = jnp.broadcast_to(first[0], (_L,))
        idx_v[pl.ds(off, _L)] = firstv

        nloops = (off + _L - 1) // _L

        @pl.loop(0, nloops)
        def _fire(j):
            iv = idx_v[pl.ds(j * _L, _L)]
            pltpu.make_async_copy(zeros_v, y_ref.at[iv], sem).start()

        @pl.loop(0, nloops)
        def _drain(j):
            iv = idx_v[pl.ds(j * _L, _L)]
            pltpu.make_async_copy(zeros_v, y_ref.at[iv], sem).wait()

    return sc_zero


def kernel(x, layer_id):
    B, S, D = x.shape
    denom = int(round(_NUM_LAYERS / _BASE_PRUNING_RATIO))
    num_keep = (S * (denom - (jnp.asarray(layer_id, jnp.int32) + 1))) // denom
    num_keep = jnp.clip(num_keep, 1, S).astype(jnp.int32).reshape((1,))

    SB = 128 if S % 128 == 0 else S
    nsb = S // SB
    last = nsb - 1

    y, scores, ut, c = pl.pallas_call(
        _fused_body,
        grid=(nsb,),
        in_specs=[
            pl.BlockSpec(memory_space=pltpu.SMEM),
            pl.BlockSpec((B, SB, D), lambda i: (0, i, 0)),
        ],
        out_specs=[
            pl.BlockSpec((B, SB, D), lambda i: (0, i, 0)),
            pl.BlockSpec((B, SB), lambda i: (0, i)),
            pl.BlockSpec((B, _L), lambda i: (0, 0)),
            pl.BlockSpec((B, _L), lambda i: (0, 0)),
        ],
        out_shape=[
            jax.ShapeDtypeStruct((B, S, D), x.dtype),
            jax.ShapeDtypeStruct((B, S), jnp.int32),
            jax.ShapeDtypeStruct((B, _L), jnp.int32),
            jax.ShapeDtypeStruct((B, _L), jnp.int32),
        ],
        scratch_shapes=[pltpu.VMEM((B, S), jnp.int32)],
    )(num_keep, x)

    chunk = S * B // _NW
    sc_zero = _make_sc_zero(B, S, D, chunk)

    y_ref = jax.new_ref(y.reshape(B * S, D))
    sc_zero(y_ref, scores, ut, c)
    out = jax.freeze(y_ref)
    return out.reshape(B, S, D)

# --- scband reference (transcript-rebuilt; emitter-appended) ---
"""Pipeline reference for scband-pruned-transformer-block-19662360281644 (READ-ONLY COPY).

The authoritative reference and input builder live on the scoring server;
editing this copy changes nothing except your own understanding.
"""

import jax, jax.numpy as jnp
import numpy as np

BASE_PRUNING_RATIO = 0.1
NUM_LAYERS = 24


def setup_inputs(seed: int = 0) -> dict:
    key = jax.random.key(seed)
    x = jax.random.normal(key, (4, 4096, 2048), dtype=jnp.float32)
    layer_id = 12
    return {"x": x, "layer_id": layer_id}


def reference(x, layer_id):
    # DynamicTokenPruning(base_pruning_ratio=0.1, metric='norm'):
    # pruning ratio scales with layer depth; importance score = L2 norm of each token.
    B, S, D = x.shape
    # prune_ratio = 0.1 * (layer_id + 1) / 24 = (layer_id + 1) / 240 exactly,
    # so num_keep = floor(S * (240 - (layer_id + 1)) / 240) via integer arithmetic.
    denom = int(round(NUM_LAYERS / BASE_PRUNING_RATIO))
    num_keep = (S * (denom - (jnp.asarray(layer_id) + 1))) // denom
    num_keep = jnp.clip(num_keep, 1, S)
    # token importance: L2 norm over feature dim -> [B, S]
    scores = jnp.sqrt(jnp.sum(x * x, axis=-1))
    # keep top-k tokens by norm: rank every token (stable descending order matches
    # top_k's lowest-index tie-breaking), keep those with rank < num_keep
    order = jnp.argsort(-scores, axis=-1, stable=True)  # [B, S]
    ranks = jnp.zeros((B, S), dtype=jnp.int32).at[
        jnp.arange(B)[:, None], order
    ].set(jnp.arange(S, dtype=jnp.int32)[None, :])
    keep_mask = ranks < num_keep
    # mask out pruned tokens (shape preserved)
    x_pruned = x * keep_mask[..., None].astype(x.dtype)
    return x_pruned

if __name__ == "__main__":
    import jax
    _d = setup_inputs()
    print(jax.jit(kernel)(*tuple(_d.values())))

</pallas_src>

<mosaic_0001>
#map = affine_map<(d0, d1) -> (0, 0)>
module attributes {stable_mosaic.version = 14 : i64} {
  func.func @new_body(%arg0: i32, %arg1: i32, %arg2: memref<16384x2048xf32, #tpu.memory_space<hbm>>, %arg3: memref<4x4096xi32, #tpu.memory_space<hbm>>, %arg4: memref<4x16xi32, #tpu.memory_space<hbm>>, %arg5: memref<4x16xi32, #tpu.memory_space<hbm>>, %arg6: memref<16384x2048xf32, #tpu.memory_space<hbm>>, %arg7: memref<512xi32, #tpu.memory_space<vmem>>, %arg8: memref<544xi32, #tpu.memory_space<vmem>>, %arg9: memref<16x2048xf32, #tpu.memory_space<vmem>>, %arg10: memref<16xi32, #tpu.memory_space<vmem>>, %arg11: memref<16xi32, #tpu.memory_space<vmem>>, %arg12: memref<!tpu.dma_semaphore, #tpu.memory_space<semaphore_mem>>, %arg13: memref<!tpu.dma_semaphore, #tpu.memory_space<semaphore_mem>>) attributes {dimension_semantics = [#tpu.dimension_semantics<core_parallel>, #tpu.dimension_semantics<subcore_parallel>], iteration_bounds = array<i64: 2, 16>, scalar_prefetch = 0 : i64, scratch_operands = 7 : i64, tpu.core_type = #tpu.core_type<sc_vector_subcore>, window_params = [{transform_indices = #map}, {transform_indices = #map}, {transform_indices = #map}, {transform_indices = #map}, {transform_indices = #map}]} {
    %mul3A = arith.constant 2 : i32
    %mul3A_0 = arith.muli %arg1, %mul3A : i32
    %add3A = arith.addi %mul3A_0, %arg0 : i32
    %jit3A = arith.constant 8 : i32
    %div3A = arith.divsi %add3A, %jit3A : i32
    %sign3A = arith.constant 0 : i32
    %sign3A_1 = arith.cmpi sgt, %add3A, %sign3A : i32
    %sign3A_2 = arith.extui %sign3A_1 : i1 to i32
    %sign3A_3 = arith.constant 0 : i32
    %sign3A_4 = arith.cmpi slt, %add3A, %sign3A_3 : i32
    %sign3A_5 = arith.extui %sign3A_4 : i1 to i32
    %sign3A_6 = arith.subi %sign3A_2, %sign3A_5 : i32
    %sign3A_7 = arith.constant 0 : i32
    %sign3A_8 = arith.cmpi sgt, %jit3A, %sign3A_7 : i32
    %sign3A_9 = arith.extui %sign3A_8 : i1 to i32
    %sign3A_10 = arith.constant 0 : i32
    %sign3A_11 = arith.cmpi slt, %jit3A, %sign3A_10 : i32
    %sign3A_12 = arith.extui %sign3A_11 : i1 to i32
    %sign3A_13 = arith.subi %sign3A_9, %sign3A_12 : i32
    %ne3A = arith.cmpi ne, %sign3A_6, %sign3A_13 : i32
    %rem3A = arith.remsi %add3A, %jit3A : i32
    %ne3A_14 = arith.constant 0 : i32
    %ne3A_15 = arith.cmpi ne, %rem3A, %ne3A_14 : i32
    %and3A = arith.andi %ne3A, %ne3A_15 : i1
    %sub3A = arith.constant 1 : i32
    %sub3A_16 = arith.subi %div3A, %sub3A : i32
    %select_n3A = arith.select %and3A, %sub3A_16, %div3A : i32
    %jit3A_17 = arith.constant 8 : i32
    %eq3A = arith.constant 0 : i32
    %eq3A_18 = arith.cmpi eq, %jit3A_17, %eq3A : i32
    %jit3A_19 = arith.constant 1 : i32
    %select_n3A_20 = arith.select %eq3A_18, %jit3A_19, %jit3A_17 : i32
    %rem3A_21 = arith.remsi %add3A, %select_n3A_20 : i32
    %ne3A_22 = arith.constant 0 : i32
    %ne3A_23 = arith.cmpi ne, %rem3A_21, %ne3A_22 : i32
    %lt3A = arith.constant 0 : i32
    %lt3A_24 = arith.cmpi slt, %rem3A_21, %lt3A : i32
    %lt3A_25 = arith.constant 0 : i32
    %lt3A_26 = arith.cmpi slt, %select_n3A_20, %lt3A_25 : i32
    %ne3A_27 = arith.xori %lt3A_24, %lt3A_26 : i1
    %and3A_28 = arith.andi %ne3A_27, %ne3A_23 : i1
    %add3A_29 = arith.addi %rem3A_21, %select_n3A_20 : i32
    %select_n3A_30 = arith.select %and3A_28, %add3A_29, %rem3A_21 : i32
    %mul3A_31 = arith.constant 512 : i32
    %mul3A_32 = arith.muli %select_n3A_30, %mul3A_31 : i32
    %dma_start3A = tpu.memref_slice %arg3[%select_n3A, %mul3A_32] : memref<4x4096xi32, #tpu.memory_space<hbm>> -> memref<1x512xi32, #tpu.memory_space<hbm>>
    %dma_start3A_33 = tpu.memref_squeeze %dma_start3A : memref<1x512xi32, #tpu.memory_space<hbm>> -> memref<512xi32, #tpu.memory_space<hbm>>
    %dma_start3A_34 = tpu.memref_slice %arg3[%select_n3A, %mul3A_32] : memref<4x4096xi32, #tpu.memory_space<hbm>> -> memref<1x512xi32, #tpu.memory_space<hbm>>
    %dma_start3A_35 = tpu.memref_squeeze %dma_start3A_34 : memref<1x512xi32, #tpu.memory_space<hbm>> -> memref<512xi32, #tpu.memory_space<hbm>>
    tpu.enqueue_dma source(%dma_start3A_35 : memref<512xi32, #tpu.memory_space<hbm>>) target(%arg7 : memref<512xi32, #tpu.memory_space<vmem>>) target_semaphore(%arg12 : memref<!tpu.dma_semaphore, #tpu.memory_space<semaphore_mem>>)
    %dma_start3A_36 = arith.constant 0 : i32
    %dma_start3A_37 = tpu.memref_slice %arg4[%select_n3A, %dma_start3A_36] : memref<4x16xi32, #tpu.memory_space<hbm>> -> memref<1x16xi32, #tpu.memory_space<hbm>>
    %dma_start3A_38 = tpu.memref_squeeze %dma_start3A_37 : memref<1x16xi32, #tpu.memory_space<hbm>> -> memref<16xi32, #tpu.memory_space<hbm>>
    %dma_start3A_39 = arith.constant 0 : i32
    %dma_start3A_40 = tpu.memref_slice %arg4[%select_n3A, %dma_start3A_39] : memref<4x16xi32, #tpu.memory_space<hbm>> -> memref<1x16xi32, #tpu.memory_space<hbm>>
    %dma_start3A_41 = tpu.memref_squeeze %dma_start3A_40 : memref<1x16xi32, #tpu.memory_space<hbm>> -> memref<16xi32, #tpu.memory_space<hbm>>
    tpu.enqueue_dma source(%dma_start3A_41 : memref<16xi32, #tpu.memory_space<hbm>>) target(%arg10 : memref<16xi32, #tpu.memory_space<vmem>>) target_semaphore(%arg13 : memref<!tpu.dma_semaphore, #tpu.memory_space<semaphore_mem>>)
    %dma_start3A_42 = arith.constant 0 : i32
    %dma_start3A_43 = tpu.memref_slice %arg5[%select_n3A, %dma_start3A_42] : memref<4x16xi32, #tpu.memory_space<hbm>> -> memref<1x16xi32, #tpu.memory_space<hbm>>
    %dma_start3A_44 = tpu.memref_squeeze %dma_start3A_43 : memref<1x16xi32, #tpu.memory_space<hbm>> -> memref<16xi32, #tpu.memory_space<hbm>>
    %dma_start3A_45 = arith.constant 0 : i32
    %dma_start3A_46 = tpu.memref_slice %arg5[%select_n3A, %dma_start3A_45] : memref<4x16xi32, #tpu.memory_space<hbm>> -> memref<1x16xi32, #tpu.memory_space<hbm>>
    %dma_start3A_47 = tpu.memref_squeeze %dma_start3A_46 : memref<1x16xi32, #tpu.memory_space<hbm>> -> memref<16xi32, #tpu.memory_space<hbm>>
    tpu.enqueue_dma source(%dma_start3A_47 : memref<16xi32, #tpu.memory_space<hbm>>) target(%arg11 : memref<16xi32, #tpu.memory_space<vmem>>) target_semaphore(%arg13 : memref<!tpu.dma_semaphore, #tpu.memory_space<semaphore_mem>>)
    %broadcast_in_dim3A = arith.constant 0.000000e+00 : f32
    %broadcast_in_dim3A_48 = vector.broadcast %broadcast_in_dim3A : f32 to vector<16xf32>
    %scan3A = arith.constant 0 : i32
    %scan3A_49 = arith.constant 128 : i32
    %scan3A_50 = arith.addi %scan3A, %scan3A_49 : i32
    %scan3A_51 = arith.constant 1 : i32
    scf.for %scan3A_147 = %scan3A to %scan3A_50 step %scan3A_51  : i32 {
      %mul3A_148 = arith.constant 1 : i32
      %mul3A_149 = arith.muli %scan3A_147, %mul3A_148 : i32
      %add3A_150 = arith.constant 0 : i32
      %add3A_151 = arith.addi %add3A_150, %mul3A_149 : i32
      %mul3A_152 = arith.constant 16 : i32
      %mul3A_153 = arith.muli %add3A_151, %mul3A_152 : i32
      %swap3A_154 = arith.constant 0 : i32
      %swap3A_155 = arith.index_cast %swap3A_154 : i32 to index
      %swap3A_156 = arith.index_cast %mul3A_153 : i32 to index
      %swap3A_157 = tpu.vector_load %arg9[%swap3A_155, %swap3A_156] {strides = array<i32>} : memref<16x2048xf32, #tpu.memory_space<vmem>>, vector<16xf32>,
      tpu.vector_store %arg9[%swap3A_155, %swap3A_156], %broadcast_in_dim3A_48 {strides = array<i32>} : memref<16x2048xf32, #tpu.memory_space<vmem>>, vector<16xf32>,
      %mul3A_158 = arith.constant 16 : i32
      %mul3A_159 = arith.muli %add3A_151, %mul3A_158 : i32
      %swap3A_160 = arith.constant 1 : i32
      %swap3A_161 = arith.index_cast %swap3A_160 : i32 to index
      %swap3A_162 = arith.index_cast %mul3A_159 : i32 to index
      %swap3A_163 = tpu.vector_load %arg9[%swap3A_161, %swap3A_162] {strides = array<i32>} : memref<16x2048xf32, #tpu.memory_space<vmem>>, vector<16xf32>,
      tpu.vector_store %arg9[%swap3A_161, %swap3A_162], %broadcast_in_dim3A_48 {strides = array<i32>} : memref<16x2048xf32, #tpu.memory_space<vmem>>, vector<16xf32>,
      %mul3A_164 = arith.constant 16 : i32
      %mul3A_165 = arith.muli %add3A_151, %mul3A_164 : i32
      %swap3A_166 = arith.constant 2 : i32
      %swap3A_167 = arith.index_cast %swap3A_166 : i32 to index
      %swap3A_168 = arith.index_cast %mul3A_165 : i32 to index
      %swap3A_169 = tpu.vector_load %arg9[%swap3A_167, %swap3A_168] {strides = array<i32>} : memref<16x2048xf32, #tpu.memory_space<vmem>>, vector<16xf32>,
      tpu.vector_store %arg9[%swap3A_167, %swap3A_168], %broadcast_in_dim3A_48 {strides = array<i32>} : memref<16x2048xf32, #tpu.memory_space<vmem>>, vector<16xf32>,
      %mul3A_170 = arith.constant 16 : i32
      %mul3A_171 = arith.muli %add3A_151, %mul3A_170 : i32
      %swap3A_172 = arith.constant 3 : i32
      %swap3A_173 = arith.index_cast %swap3A_172 : i32 to index
      %swap3A_174 = arith.index_cast %mul3A_171 : i32 to index
      %swap3A_175 = tpu.vector_load %arg9[%swap3A_173, %swap3A_174] {strides = array<i32>} : memref<16x2048xf32, #tpu.memory_space<vmem>>, vector<16xf32>,
      tpu.vector_store %arg9[%swap3A_173, %swap3A_174], %broadcast_in_dim3A_48 {strides = array<i32>} : memref<16x2048xf32, #tpu.memory_space<vmem>>, vector<16xf32>,
      %mul3A_176 = arith.constant 16 : i32
      %mul3A_177 = arith.muli %add3A_151, %mul3A_176 : i32
      %swap3A_178 = arith.constant 4 : i32
      %swap3A_179 = arith.index_cast %swap3A_178 : i32 to index
      %swap3A_180 = arith.index_cast %mul3A_177 : i32 to index
      %swap3A_181 = tpu.vector_load %arg9[%swap3A_179, %swap3A_180] {strides = array<i32>} : memref<16x2048xf32, #tpu.memory_space<vmem>>, vector<16xf32>,
      tpu.vector_store %arg9[%swap3A_179, %swap3A_180], %broadcast_in_dim3A_48 {strides = array<i32>} : memref<16x2048xf32, #tpu.memory_space<vmem>>, vector<16xf32>,
      %mul3A_182 = arith.constant 16 : i32
      %mul3A_183 = arith.muli %add3A_151, %mul3A_182 : i32
      %swap3A_184 = arith.constant 5 : i32
      %swap3A_185 = arith.index_cast %swap3A_184 : i32 to index
      %swap3A_186 = arith.index_cast %mul3A_183 : i32 to index
      %swap3A_187 = tpu.vector_load %arg9[%swap3A_185, %swap3A_186] {strides = array<i32>} : memref<16x2048xf32, #tpu.memory_space<vmem>>, vector<16xf32>,
      tpu.vector_store %arg9[%swap3A_185, %swap3A_186], %broadcast_in_dim3A_48 {strides = array<i32>} : memref<16x2048xf32, #tpu.memory_space<vmem>>, vector<16xf32>,
      %mul3A_188 = arith.constant 16 : i32
      %mul3A_189 = arith.muli %add3A_151, %mul3A_188 : i32
      %swap3A_190 = arith.constant 6 : i32
      %swap3A_191 = arith.index_cast %swap3A_190 : i32 to index
      %swap3A_192 = arith.index_cast %mul3A_189 : i32 to index
      %swap3A_193 = tpu.vector_load %arg9[%swap3A_191, %swap3A_192] {strides = array<i32>} : memref<16x2048xf32, #tpu.memory_space<vmem>>, vector<16xf32>,
      tpu.vector_store %arg9[%swap3A_191, %swap3A_192], %broadcast_in_dim3A_48 {strides = array<i32>} : memref<16x2048xf32, #tpu.memory_space<vmem>>, vector<16xf32>,
      %mul3A_194 = arith.constant 16 : i32
      %mul3A_195 = arith.muli %add3A_151, %mul3A_194 : i32
      %swap3A_196 = arith.constant 7 : i32
      %swap3A_197 = arith.index_cast %swap3A_196 : i32 to index
      %swap3A_198 = arith.index_cast %mul3A_195 : i32 to index
      %swap3A_199 = tpu.vector_load %arg9[%swap3A_197, %swap3A_198] {strides = array<i32>} : memref<16x2048xf32, #tpu.memory_space<vmem>>, vector<16xf32>,
      tpu.vector_store %arg9[%swap3A_197, %swap3A_198], %broadcast_in_dim3A_48 {strides = array<i32>} : memref<16x2048xf32, #tpu.memory_space<vmem>>, vector<16xf32>,
      %mul3A_200 = arith.constant 16 : i32
      %mul3A_201 = arith.muli %add3A_151, %mul3A_200 : i32
      %swap3A_202 = arith.constant 8 : i32
      %swap3A_203 = arith.index_cast %swap3A_202 : i32 to index
      %swap3A_204 = arith.index_cast %mul3A_201 : i32 to index
      %swap3A_205 = tpu.vector_load %arg9[%swap3A_203, %swap3A_204] {strides = array<i32>} : memref<16x2048xf32, #tpu.memory_space<vmem>>, vector<16xf32>,
      tpu.vector_store %arg9[%swap3A_203, %swap3A_204], %broadcast_in_dim3A_48 {strides = array<i32>} : memref<16x2048xf32, #tpu.memory_space<vmem>>, vector<16xf32>,
      %mul3A_206 = arith.constant 16 : i32
      %mul3A_207 = arith.muli %add3A_151, %mul3A_206 : i32
      %swap3A_208 = arith.constant 9 : i32
      %swap3A_209 = arith.index_cast %swap3A_208 : i32 to index
      %swap3A_210 = arith.index_cast %mul3A_207 : i32 to index
      %swap3A_211 = tpu.vector_load %arg9[%swap3A_209, %swap3A_210] {strides = array<i32>} : memref<16x2048xf32, #tpu.memory_space<vmem>>, vector<16xf32>,
      tpu.vector_store %arg9[%swap3A_209, %swap3A_210], %broadcast_in_dim3A_48 {strides = array<i32>} : memref<16x2048xf32, #tpu.memory_space<vmem>>, vector<16xf32>,
      %mul3A_212 = arith.constant 16 : i32
      %mul3A_213 = arith.muli %add3A_151, %mul3A_212 : i32
      %swap3A_214 = arith.constant 10 : i32
      %swap3A_215 = arith.index_cast %swap3A_214 : i32 to index
      %swap3A_216 = arith.index_cast %mul3A_213 : i32 to index
      %swap3A_217 = tpu.vector_load %arg9[%swap3A_215, %swap3A_216] {strides = array<i32>} : memref<16x2048xf32, #tpu.memory_space<vmem>>, vector<16xf32>,
      tpu.vector_store %arg9[%swap3A_215, %swap3A_216], %broadcast_in_dim3A_48 {strides = array<i32>} : memref<16x2048xf32, #tpu.memory_space<vmem>>, vector<16xf32>,
      %mul3A_218 = arith.constant 16 : i32
      %mul3A_219 = arith.muli %add3A_151, %mul3A_218 : i32
      %swap3A_220 = arith.constant 11 : i32
      %swap3A_221 = arith.index_cast %swap3A_220 : i32 to index
      %swap3A_222 = arith.index_cast %mul3A_219 : i32 to index
      %swap3A_223 = tpu.vector_load %arg9[%swap3A_221, %swap3A_222] {strides = array<i32>} : memref<16x2048xf32, #tpu.memory_space<vmem>>, vector<16xf32>,
      tpu.vector_store %arg9[%swap3A_221, %swap3A_222], %broadcast_in_dim3A_48 {strides = array<i32>} : memref<16x2048xf32, #tpu.memory_space<vmem>>, vector<16xf32>,
      %mul3A_224 = arith.constant 16 : i32
      %mul3A_225 = arith.muli %add3A_151, %mul3A_224 : i32
      %swap3A_226 = arith.constant 12 : i32
      %swap3A_227 = arith.index_cast %swap3A_226 : i32 to index
      %swap3A_228 = arith.index_cast %mul3A_225 : i32 to index
      %swap3A_229 = tpu.vector_load %arg9[%swap3A_227, %swap3A_228] {strides = array<i32>} : memref<16x2048xf32, #tpu.memory_space<vmem>>, vector<16xf32>,
      tpu.vector_store %arg9[%swap3A_227, %swap3A_228], %broadcast_in_dim3A_48 {strides = array<i32>} : memref<16x2048xf32, #tpu.memory_space<vmem>>, vector<16xf32>,
      %mul3A_230 = arith.constant 16 : i32
      %mul3A_231 = arith.muli %add3A_151, %mul3A_230 : i32
      %swap3A_232 = arith.constant 13 : i32
      %swap3A_233 = arith.index_cast %swap3A_232 : i32 to index
      %swap3A_234 = arith.index_cast %mul3A_231 : i32 to index
      %swap3A_235 = tpu.vector_load %arg9[%swap3A_233, %swap3A_234] {strides = array<i32>} : memref<16x2048xf32, #tpu.memory_space<vmem>>, vector<16xf32>,
      tpu.vector_store %arg9[%swap3A_233, %swap3A_234], %broadcast_in_dim3A_48 {strides = array<i32>} : memref<16x2048xf32, #tpu.memory_space<vmem>>, vector<16xf32>,
      %mul3A_236 = arith.constant 16 : i32
      %mul3A_237 = arith.muli %add3A_151, %mul3A_236 : i32
      %swap3A_238 = arith.constant 14 : i32
      %swap3A_239 = arith.index_cast %swap3A_238 : i32 to index
      %swap3A_240 = arith.index_cast %mul3A_237 : i32 to index
      %swap3A_241 = tpu.vector_load %arg9[%swap3A_239, %swap3A_240] {strides = array<i32>} : memref<16x2048xf32, #tpu.memory_space<vmem>>, vector<16xf32>,
      tpu.vector_store %arg9[%swap3A_239, %swap3A_240], %broadcast_in_dim3A_48 {strides = array<i32>} : memref<16x2048xf32, #tpu.memory_space<vmem>>, vector<16xf32>,
      %mul3A_242 = arith.constant 16 : i32
      %mul3A_243 = arith.muli %add3A_151, %mul3A_242 : i32
      %swap3A_244 = arith.constant 15 : i32
      %swap3A_245 = arith.index_cast %swap3A_244 : i32 to index
      %swap3A_246 = arith.index_cast %mul3A_243 : i32 to index
      %swap3A_247 = tpu.vector_load %arg9[%swap3A_245, %swap3A_246] {strides = array<i32>} : memref<16x2048xf32, #tpu.memory_space<vmem>>, vector<16xf32>,
      tpu.vector_store %arg9[%swap3A_245, %swap3A_246], %broadcast_in_dim3A_48 {strides = array<i32>} : memref<16x2048xf32, #tpu.memory_space<vmem>>, vector<16xf32>,
    }
    %scan3A_52 = arith.constant 128 : i32
    %dma_wait3A = tpu.memref_slice %arg3[%select_n3A, %mul3A_32] : memref<4x4096xi32, #tpu.memory_space<hbm>> -> memref<1x512xi32, #tpu.memory_space<hbm>>
    %dma_wait3A_53 = tpu.memref_squeeze %dma_wait3A : memref<1x512xi32, #tpu.memory_space<hbm>> -> memref<512xi32, #tpu.memory_space<hbm>>
    %dma_wait3A_54 = tpu.memref_slice %arg3[%select_n3A, %mul3A_32] : memref<4x4096xi32, #tpu.memory_space<hbm>> -> memref<1x512xi32, #tpu.memory_space<hbm>>
    %dma_wait3A_55 = tpu.memref_squeeze %dma_wait3A_54 : memref<1x512xi32, #tpu.memory_space<hbm>> -> memref<512xi32, #tpu.memory_space<hbm>>
    tpu.wait_dma2 semaphore(%arg12 : memref<!tpu.dma_semaphore, #tpu.memory_space<semaphore_mem>>) src(%dma_wait3A_55 : memref<512xi32, #tpu.memory_space<hbm>>) dst(%arg7 : memref<512xi32, #tpu.memory_space<vmem>>)
    %dma_wait3A_56 = arith.constant 0 : i32
    %dma_wait3A_57 = tpu.memref_slice %arg4[%select_n3A, %dma_wait3A_56] : memref<4x16xi32, #tpu.memory_space<hbm>> -> memref<1x16xi32, #tpu.memory_space<hbm>>
    %dma_wait3A_58 = tpu.memref_squeeze %dma_wait3A_57 : memref<1x16xi32, #tpu.memory_space<hbm>> -> memref<16xi32, #tpu.memory_space<hbm>>
    %dma_wait3A_59 = arith.constant 0 : i32
    %dma_wait3A_60 = tpu.memref_slice %arg4[%select_n3A, %dma_wait3A_59] : memref<4x16xi32, #tpu.memory_space<hbm>> -> memref<1x16xi32, #tpu.memory_space<hbm>>
    %dma_wait3A_61 = tpu.memref_squeeze %dma_wait3A_60 : memref<1x16xi32, #tpu.memory_space<hbm>> -> memref<16xi32, #tpu.memory_space<hbm>>
    tpu.wait_dma2 semaphore(%arg13 : memref<!tpu.dma_semaphore, #tpu.memory_space<semaphore_mem>>) src(%dma_wait3A_61 : memref<16xi32, #tpu.memory_space<hbm>>) dst(%arg10 : memref<16xi32, #tpu.memory_space<vmem>>)
    %dma_wait3A_62 = arith.constant 0 : i32
    %dma_wait3A_63 = tpu.memref_slice %arg5[%select_n3A, %dma_wait3A_62] : memref<4x16xi32, #tpu.memory_space<hbm>> -> memref<1x16xi32, #tpu.memory_space<hbm>>
    %dma_wait3A_64 = tpu.memref_squeeze %dma_wait3A_63 : memref<1x16xi32, #tpu.memory_space<hbm>> -> memref<16xi32, #tpu.memory_space<hbm>>
    %dma_wait3A_65 = arith.constant 0 : i32
    %dma_wait3A_66 = tpu.memref_slice %arg5[%select_n3A, %dma_wait3A_65] : memref<4x16xi32, #tpu.memory_space<hbm>> -> memref<1x16xi32, #tpu.memory_space<hbm>>
    %dma_wait3A_67 = tpu.memref_squeeze %dma_wait3A_66 : memref<1x16xi32, #tpu.memory_space<hbm>> -> memref<16xi32, #tpu.memory_space<hbm>>
    tpu.wait_dma2 semaphore(%arg13 : memref<!tpu.dma_semaphore, #tpu.memory_space<semaphore_mem>>) src(%dma_wait3A_67 : memref<16xi32, #tpu.memory_space<hbm>>) dst(%arg11 : memref<16xi32, #tpu.memory_space<vmem>>)
    %get3A = arith.constant 0 : index
    %get3A_68 = tpu.vector_load %arg10[%get3A] {strides = array<i32>} : memref<16xi32, #tpu.memory_space<vmem>>, vector<16xi32>,
    %get3A_69 = arith.constant 0 : index
    %get3A_70 = tpu.vector_load %arg11[%get3A_69] {strides = array<i32>} : memref<16xi32, #tpu.memory_space<vmem>>, vector<16xi32>,
    %iota3A = tpu.iota {dimensions = array<i32: 0>} : vector<16xi32>
    %scan3A_71 = arith.constant 0 : i32
    %scan3A_72 = arith.constant 0 : i32
    %scan3A_73 = arith.constant 32 : i32
    %scan3A_74 = arith.addi %scan3A_72, %scan3A_73 : i32
    %scan3A_75 = arith.constant 1 : i32
    %scan3A_76 = scf.for %scan3A_147 = %scan3A_72 to %scan3A_74 step %scan3A_75 iter_args(%scan3A_148 = %scan3A_71) -> (i32)  : i32 {
      %mul3A_149 = arith.constant 16 : i32
      %mul3A_150 = arith.muli %scan3A_147, %mul3A_149 : i32
      %get3A_151 = arith.index_cast %mul3A_150 : i32 to index
      %get3A_152 = tpu.vector_load %arg7[%get3A_151] {strides = array<i32>} : memref<512xi32, #tpu.memory_space<vmem>>, vector<16xi32>,
      %mul3A_153 = arith.constant 16 : i32
      %mul3A_154 = arith.muli %scan3A_147, %mul3A_153 : i32
      %add3A_155 = arith.addi %mul3A_32, %mul3A_154 : i32
      %add3A_156 = vector.broadcast %add3A_155 : i32 to vector<16xi32>
      %add3A_157 = arith.addi %add3A_156, %iota3A : vector<16xi32>
      %gt3A = arith.cmpi sgt, %get3A_152, %get3A_68 : vector<16xi32>
      %eq3A_158 = arith.cmpi eq, %get3A_152, %get3A_68 : vector<16xi32>
      %le3A = arith.cmpi sle, %add3A_157, %get3A_70 : vector<16xi32>
      %and3A_159 = arith.andi %eq3A_158, %le3A : vector<16xi1>
      %or3A = arith.ori %gt3A, %and3A_159 : vector<16xi1>
      %not3A = arith.constant dense<true> : vector<16xi1>
      %not3A_160 = arith.xori %or3A, %not3A : vector<16xi1>
      %convert_element_type3A = arith.extui %or3A : vector<16xi1> to vector<16xi32>
      %mul3A_161 = arith.constant 4096 : i32
      %mul3A_162 = arith.muli %select_n3A, %mul3A_161 : i32
      %add3A_163 = vector.broadcast %mul3A_162 : i32 to vector<16xi32>
      %add3A_164 = arith.addi %add3A_163, %add3A_157 : vector<16xi32>
      %masked_sort3A = arith.constant dense<true> : vector<16xi1>
      %masked_sort3A_165 = arith.constant -2147483648 : i32
      %masked_sort3A_166 = vector.broadcast %masked_sort3A_165 : i32 to vector<16xi32>
      %masked_sort3A_167 = arith.xori %convert_element_type3A, %masked_sort3A_166 : vector<16xi32>
      %masked_sort3A_168, %masked_sort3A_169, %masked_sort3A_170 = tpu.sort %masked_sort3A_167, %add3A_164 masked %masked_sort3A : (vector<16xi32>, vector<16xi32>, vector<16xi1>) -> (vector<16xi1>, vector<16xi32>, vector<16xi32>)
      %masked_sort3A_171 = arith.xori %masked_sort3A_169, %masked_sort3A_166 : vector<16xi32>
      %swap3A_172 = arith.index_cast %scan3A_148 : i32 to index
      %swap3A_173 = tpu.vector_load %arg8[%swap3A_172] {strides = array<i32>} : memref<544xi32, #tpu.memory_space<vmem>>, vector<16xi32>,
      tpu.vector_store %arg8[%swap3A_172], %masked_sort3A_170 {strides = array<i32>} : memref<544xi32, #tpu.memory_space<vmem>>, vector<16xi32>,
      %all_reduce_population_count3A = tpu.all_reduce %not3A_160 {dim = 0 : i64, kind = #tpu.reduction_kind<sum>} : vector<16xi1> -> vector<16xi32>
      %slice3A_174 = vector.extract_strided_slice %all_reduce_population_count3A {offsets = [0], sizes = [1], strides = [1]} : vector<16xi32> to vector<1xi32>
      %squeeze3A_175 = vector.extract %slice3A_174[0] : i32 from vector<1xi32>
      %add3A_176 = arith.addi %scan3A_148, %squeeze3A_175 : i32
      scf.yield %add3A_176 : i32
    }
    %scan3A_77 = arith.constant 32 : i32
    %get3A_78 = arith.constant 0 : index
    %get3A_79 = tpu.vector_load %arg8[%get3A_78] {strides = array<i32>} : memref<544xi32, #tpu.memory_space<vmem>>, vector<16xi32>,
    %slice3A = vector.extract_strided_slice %get3A_79 {offsets = [0], sizes = [1], strides = [1]} : vector<16xi32> to vector<1xi32>
    %squeeze3A = vector.extract %slice3A[0] : i32 from vector<1xi32>
    %broadcast_in_dim3A_80 = vector.broadcast %squeeze3A : i32 to vector<16xi32>
    %swap3A = arith.index_cast %scan3A_76 : i32 to index
    %swap3A_81 = tpu.vector_load %arg8[%swap3A] {strides = array<i32>} : memref<544xi32, #tpu.memory_space<vmem>>, vector<16xi32>,
    tpu.vector_store %arg8[%swap3A], %broadcast_in_dim3A_80 {strides = array<i32>} : memref<544xi32, #tpu.memory_space<vmem>>, vector<16xi32>,
    %add3A_82 = arith.constant 16 : i32
    %add3A_83 = arith.addi %scan3A_76, %add3A_82 : i32
    %sub3A_84 = arith.constant 1 : i32
    %sub3A_85 = arith.subi %add3A_83, %sub3A_84 : i32
    %jit3A_86 = arith.constant 16 : i32
    %div3A_87 = arith.divsi %sub3A_85, %jit3A_86 : i32
    %sign3A_88 = arith.constant 0 : i32
    %sign3A_89 = arith.cmpi sgt, %sub3A_85, %sign3A_88 : i32
    %sign3A_90 = arith.extui %sign3A_89 : i1 to i32
    %sign3A_91 = arith.constant 0 : i32
    %sign3A_92 = arith.cmpi slt, %sub3A_85, %sign3A_91 : i32
    %sign3A_93 = arith.extui %sign3A_92 : i1 to i32
    %sign3A_94 = arith.subi %sign3A_90, %sign3A_93 : i32
    %sign3A_95 = arith.constant 0 : i32
    %sign3A_96 = arith.cmpi sgt, %jit3A_86, %sign3A_95 : i32
    %sign3A_97 = arith.extui %sign3A_96 : i1 to i32
    %sign3A_98 = arith.constant 0 : i32
    %sign3A_99 = arith.cmpi slt, %jit3A_86, %sign3A_98 : i32
    %sign3A_100 = arith.extui %sign3A_99 : i1 to i32
    %sign3A_101 = arith.subi %sign3A_97, %sign3A_100 : i32
    %ne3A_102 = arith.cmpi ne, %sign3A_94, %sign3A_101 : i32
    %rem3A_103 = arith.remsi %sub3A_85, %jit3A_86 : i32
    %ne3A_104 = arith.constant 0 : i32
    %ne3A_105 = arith.cmpi ne, %rem3A_103, %ne3A_104 : i32
    %and3A_106 = arith.andi %ne3A_102, %ne3A_105 : i1
    %sub3A_107 = arith.constant 1 : i32
    %sub3A_108 = arith.subi %div3A_87, %sub3A_107 : i32
    %select_n3A_109 = arith.select %and3A_106, %sub3A_108, %div3A_87 : i32
    %sub3A_110 = arith.constant 0 : i32
    %sub3A_111 = arith.subi %select_n3A_109, %sub3A_110 : i32
    %sub3A_112 = arith.constant 1 : i32
    %sub3A_113 = arith.constant 1 : i32
    %sub3A_114 = arith.subi %sub3A_112, %sub3A_113 : i32
    %add3A_115 = arith.addi %sub3A_111, %sub3A_114 : i32
    %div3A_116 = arith.constant 1 : i32
    %div3A_117 = arith.divsi %add3A_115, %div3A_116 : i32
    %while3A = arith.constant 1 : i32
    %while3A_118 = arith.constant 0 : i32
    %while3A_119 = arith.constant 0 : i32
    %while3A_120 = arith.subi %div3A_117, %while3A_119 : i32
    %while3A_121 = arith.addi %while3A_119, %while3A_120 : i32
    %while3A_122 = arith.constant 1 : i32
    %while3A_123 = arith.divsi %while3A_120, %while3A_122 : i32
    %while3A_124 = arith.muli %while3A_123, %while3A_122 : i32
    %while3A_125 = arith.addi %while3A_119, %while3A_124 : i32
    %while3A_126 = arith.constant 1 : i32
    scf.for %while3A_147 = %while3A_119 to %while3A_125 step %while3A_126  : i32 {
      %mul3A_148 = arith.muli %while3A_147, %while3A : i32
      %add3A_149 = arith.addi %while3A_118, %mul3A_148 : i32
      %mul3A_150 = arith.constant 16 : i32
      %mul3A_151 = arith.muli %add3A_149, %mul3A_150 : i32
      %get3A_152 = arith.index_cast %mul3A_151 : i32 to index
      %get3A_153 = tpu.vector_load %arg8[%get3A_152] {strides = array<i32>} : memref<544xi32, #tpu.memory_space<vmem>>, vector<16xi32>,
      %dma_start3A_154 = arith.constant 0 : i32
      %dma_start3A_155 = arith.constant 0 : i32
      %dma_start3A_156 = tpu.memref_slice %arg2[%dma_start3A_154, %dma_start3A_155] : memref<16384x2048xf32, #tpu.memory_space<hbm>> -> memref<16384x2048xf32, #tpu.memory_space<hbm>>
      tpu.enqueue_indirect_dma source(%arg9 : memref<16x2048xf32, #tpu.memory_space<vmem>>) target(%dma_start3A_156 : memref<16384x2048xf32, #tpu.memory_space<hbm>>) offsets(%get3A_153 : vector<16xi32>) semaphore(%arg12 : memref<!tpu.dma_semaphore, #tpu.memory_space<semaphore_mem>>)
    }
    %while3A_127 = arith.constant 1 : i32
    scf.for %while3A_147 = %while3A_125 to %while3A_121 step %while3A_127  : i32 {
      %mul3A_148 = arith.muli %while3A_147, %while3A : i32
      %add3A_149 = arith.addi %while3A_118, %mul3A_148 : i32
      %mul3A_150 = arith.constant 16 : i32
      %mul3A_151 = arith.muli %add3A_149, %mul3A_150 : i32
      %get3A_152 = arith.index_cast %mul3A_151 : i32 to index
      %get3A_153 = tpu.vector_load %arg8[%get3A_152] {strides = array<i32>} : memref<544xi32, #tpu.memory_space<vmem>>, vector<16xi32>,
      %dma_start3A_154 = arith.constant 0 : i32
      %dma_start3A_155 = arith.constant 0 : i32
      %dma_start3A_156 = tpu.memref_slice %arg2[%dma_start3A_154, %dma_start3A_155] : memref<16384x2048xf32, #tpu.memory_space<hbm>> -> memref<16384x2048xf32, #tpu.memory_space<hbm>>
      tpu.enqueue_indirect_dma source(%arg9 : memref<16x2048xf32, #tpu.memory_space<vmem>>) target(%dma_start3A_156 : memref<16384x2048xf32, #tpu.memory_space<hbm>>) offsets(%get3A_153 : vector<16xi32>) semaphore(%arg12 : memref<!tpu.dma_semaphore, #tpu.memory_space<semaphore_mem>>)
    }
    %sub3A_128 = arith.constant 0 : i32
    %sub3A_129 = arith.subi %select_n3A_109, %sub3A_128 : i32
    %sub3A_130 = arith.constant 1 : i32
    %sub3A_131 = arith.constant 1 : i32
    %sub3A_132 = arith.subi %sub3A_130, %sub3A_131 : i32
    %add3A_133 = arith.addi %sub3A_129, %sub3A_132 : i32
    %div3A_134 = arith.constant 1 : i32
    %div3A_135 = arith.divsi %add3A_133, %div3A_134 : i32
    %while3A_136 = arith.constant 1 : i32
    %while3A_137 = arith.constant 0 : i32
    %while3A_138 = arith.constant 0 : i32
    %while3A_139 = arith.subi %div3A_135, %while3A_138 : i32
    %while3A_140 = arith.addi %while3A_138, %while3A_139 : i32
    %while3A_141 = arith.constant 1 : i32
    %while3A_142 = arith.divsi %while3A_139, %while3A_141 : i32
    %while3A_143 = arith.muli %while3A_142, %while3A_141 : i32
    %while3A_144 = arith.addi %while3A_138, %while3A_143 : i32
    %while3A_145 = arith.constant 1 : i32
    scf.for %while3A_147 = %while3A_138 to %while3A_144 step %while3A_145  : i32 {
      %mul3A_148 = arith.muli %while3A_147, %while3A_136 : i32
      %add3A_149 = arith.addi %while3A_137, %mul3A_148 : i32
      %mul3A_150 = arith.constant 16 : i32
      %mul3A_151 = arith.muli %add3A_149, %mul3A_150 : i32
      %get3A_152 = arith.index_cast %mul3A_151 : i32 to index
      %get3A_153 = tpu.vector_load %arg8[%get3A_152] {strides = array<i32>} : memref<544xi32, #tpu.memory_space<vmem>>, vector<16xi32>,
      %dma_wait3A_154 = arith.constant 0 : i32
      %dma_wait3A_155 = arith.constant 0 : i32
      %dma_wait3A_156 = tpu.memref_slice %arg2[%dma_wait3A_154, %dma_wait3A_155] : memref<16384x2048xf32, #tpu.memory_space<hbm>> -> memref<16384x2048xf32, #tpu.memory_space<hbm>>
      tpu.wait_indirect_dma semaphore(%arg12 : memref<!tpu.dma_semaphore, #tpu.memory_space<semaphore_mem>>) src(%arg9 : memref<16x2048xf32, #tpu.memory_space<vmem>>) dst(%dma_wait3A_156 : memref<16384x2048xf32, #tpu.memory_space<hbm>>)
    }
    %while3A_146 = arith.constant 1 : i32
    scf.for %while3A_147 = %while3A_144 to %while3A_140 step %while3A_146  : i32 {
      %mul3A_148 = arith.muli %while3A_147, %while3A_136 : i32
      %add3A_149 = arith.addi %while3A_137, %mul3A_148 : i32
      %mul3A_150 = arith.constant 16 : i32
      %mul3A_151 = arith.muli %add3A_149, %mul3A_150 : i32
      %get3A_152 = arith.index_cast %mul3A_151 : i32 to index
      %get3A_153 = tpu.vector_load %arg8[%get3A_152] {strides = array<i32>} : memref<544xi32, #tpu.memory_space<vmem>>, vector<16xi32>,
      %dma_wait3A_154 = arith.constant 0 : i32
      %dma_wait3A_155 = arith.constant 0 : i32
      %dma_wait3A_156 = tpu.memref_slice %arg2[%dma_wait3A_154, %dma_wait3A_155] : memref<16384x2048xf32, #tpu.memory_space<hbm>> -> memref<16384x2048xf32, #tpu.memory_space<hbm>>
      tpu.wait_indirect_dma semaphore(%arg12 : memref<!tpu.dma_semaphore, #tpu.memory_space<semaphore_mem>>) src(%arg9 : memref<16x2048xf32, #tpu.memory_space<vmem>>) dst(%dma_wait3A_156 : memref<16384x2048xf32, #tpu.memory_space<hbm>>)
    }
    return
  }
}

module attributes {stable_mosaic.version = 14 : i64} {
  func.func @_fused_body(%arg0: i32, %arg1: memref<1xi32, #tpu.memory_space<smem>>, %arg2: memref<4x128x2048xf32, #tpu.memory_space<vmem>>, %arg3: memref<4x128x2048xf32, #tpu.memory_space<vmem>>, %arg4: memref<4x128xi32, #tpu.memory_space<vmem>>, %arg5: memref<4x16xi32, #tpu.memory_space<vmem>>, %arg6: memref<4x16xi32, #tpu.memory_space<vmem>>, %arg7: memref<4x4096xi32, #tpu.memory_space<vmem>>) attributes {dimension_semantics = [#tpu.dimension_semantics<arbitrary>], iteration_bounds = array<i64: 32>, scalar_prefetch = 0 : i64, scratch_operands = 1 : i64, tpu.core_type = #tpu.core_type<tc>, window_params = [{transform_indices = @transform_0, window_bounds = array<i64: 1>}, {transform_indices = @transform_1, window_bounds = array<i64: 4, 128, 2048>}, {transform_indices = @transform_2, window_bounds = array<i64: 4, 128, 2048>}, {transform_indices = @transform_3, window_bounds = array<i64: 4, 128>}, {pipeline_mode = #tpu.pipeline_mode<synchronous>, transform_indices = @transform_4, window_bounds = array<i64: 4, 16>}, {pipeline_mode = #tpu.pipeline_mode<synchronous>, transform_indices = @transform_5, window_bounds = array<i64: 4, 16>}]} {
    %get3A = arith.constant 0 : index
    %get3A_0 = arith.constant 0 : index
    %get3A_1 = arith.constant 0 : index
    %get3A_2 = vector.load %arg2[%get3A, %get3A_0, %get3A_1] : memref<4x128x2048xf32, #tpu.memory_space<vmem>>, vector<4x128x2048xf32>
    %swap3A = arith.constant 0 : index
    %swap3A_3 = arith.constant 0 : index
    %swap3A_4 = arith.constant 0 : index
    %swap3A_5 = vector.load %arg3[%swap3A, %swap3A_3, %swap3A_4] : memref<4x128x2048xf32, #tpu.memory_space<vmem>>, vector<4x128x2048xf32>
    tpu.vector_store %arg3[%swap3A, %swap3A_3, %swap3A_4], %get3A_2 {strides = array<i32>} : memref<4x128x2048xf32, #tpu.memory_space<vmem>>, vector<4x128x2048xf32>,
    %mul3A = arith.mulf %get3A_2, %get3A_2 : vector<4x128x2048xf32>
    %reduce_sum3A = arith.constant dense<0.000000e+00> : vector<4x128xf32>
    %reduce_sum3A_6 = vector.multi_reduction <add>, %mul3A, %reduce_sum3A [2] : vector<4x128x2048xf32> to vector<4x128xf32>
    %sqrt3A = math.sqrt %reduce_sum3A_6 : vector<4x128xf32>
    %bitcast_convert_type3A = tpu.bitcast %sqrt3A : vector<4x128xf32> -> vector<4x128xi32>
    %swap3A_7 = arith.constant 0 : index
    %swap3A_8 = arith.constant 0 : index
    %swap3A_9 = vector.load %arg4[%swap3A_7, %swap3A_8] : memref<4x128xi32, #tpu.memory_space<vmem>>, vector<4x128xi32>
    tpu.vector_store %arg4[%swap3A_7, %swap3A_8], %bitcast_convert_type3A {strides = array<i32>} : memref<4x128xi32, #tpu.memory_space<vmem>>, vector<4x128xi32>,
    %mul3A_10 = arith.constant 128 : i32
    %mul3A_11 = arith.muli %arg0, %mul3A_10 : i32
    %swap3A_12 = arith.constant 0 : index
    %swap3A_13 = arith.index_cast %mul3A_11 : i32 to index
    %swap3A_14 = vector.load %arg7[%swap3A_12, %swap3A_13] : memref<4x4096xi32, #tpu.memory_space<vmem>>, vector<4x128xi32>
    tpu.vector_store %arg7[%swap3A_12, %swap3A_13], %bitcast_convert_type3A {strides = array<i32>} : memref<4x4096xi32, #tpu.memory_space<vmem>>, vector<4x128xi32>,
    %eq3A = arith.constant 31 : i32
    %eq3A_15 = arith.cmpi eq, %arg0, %eq3A : i32
    %convert_element_type3A = arith.extui %eq3A_15 : i1 to i32
    %cond3A = arith.constant 0 : i32
    %cond3A_16 = arith.cmpi ne, %convert_element_type3A, %cond3A : i32
    scf.if %cond3A_16 {
      %get3A_17 = arith.constant 0 : index
      %get3A_18 = memref.load %arg1[%get3A_17] : memref<1xi32, #tpu.memory_space<smem>>
      %get3A_19 = arith.constant 0 : index
      %get3A_20 = arith.constant 0 : index
      %get3A_21 = vector.load %arg7[%get3A_19, %get3A_20] : memref<4x4096xi32, #tpu.memory_space<vmem>>, vector<4x4096xi32>
      %reduce_max3A = arith.constant dense<-2147483648> : vector<4xi32>
      %reduce_max3A_22 = vector.multi_reduction <maxsi>, %get3A_21, %reduce_max3A [1] : vector<4x4096xi32> to vector<4xi32>
      %broadcast_in_dim3A = vector.shape_cast %reduce_max3A_22 : vector<4xi32> to vector<4x1xi32>
      %reduce_min3A = arith.constant dense<2147483647> : vector<4xi32>
      %reduce_min3A_23 = vector.multi_reduction <minsi>, %get3A_21, %reduce_min3A [1] : vector<4x4096xi32> to vector<4xi32>
      %broadcast_in_dim3A_24 = vector.shape_cast %reduce_min3A_23 : vector<4xi32> to vector<4x1xi32>
      %xor3A = arith.xori %broadcast_in_dim3A, %broadcast_in_dim3A_24 : vector<4x1xi32>
      %convert_element_type3A_25 = arith.sitofp %xor3A : vector<4x1xi32> to vector<4x1xf32>
      %bitcast_convert_type3A_26 = tpu.bitcast %convert_element_type3A_25 : vector<4x1xf32> -> vector<4x1xi32>
      %gt3A = arith.constant 0 : i32
      %gt3A_27 = vector.broadcast %gt3A : i32 to vector<4x1xi32>
      %gt3A_28 = arith.cmpi sgt, %xor3A, %gt3A_27 : vector<4x1xi32>
      %shift_right_arithmetic3A = arith.constant 23 : i32
      %shift_right_arithmetic3A_29 = vector.broadcast %shift_right_arithmetic3A : i32 to vector<4x1xi32>
      %shift_right_arithmetic3A_30 = arith.shrsi %bitcast_convert_type3A_26, %shift_right_arithmetic3A_29 : vector<4x1xi32>
      %sub3A = arith.constant 127 : i32
      %sub3A_31 = vector.broadcast %sub3A : i32 to vector<4x1xi32>
      %sub3A_32 = arith.subi %shift_right_arithmetic3A_30, %sub3A_31 : vector<4x1xi32>
      %min3A = arith.constant 30 : i32
      %min3A_33 = vector.broadcast %min3A : i32 to vector<4x1xi32>
      %min3A_34 = arith.minsi %sub3A_32, %min3A_33 : vector<4x1xi32>
      %jit3A = arith.constant -1 : i32
      %broadcast_in_dim3A_35 = vector.broadcast %jit3A : i32 to vector<4x1xi32>
      %select_n3A = arith.select %gt3A_28, %min3A_34, %broadcast_in_dim3A_35 : vector<4x1xi1>, vector<4x1xi32>
      %max3A = arith.constant 0 : i32
      %max3A_36 = vector.broadcast %max3A : i32 to vector<4x1xi32>
      %max3A_37 = arith.maxsi %select_n3A, %max3A_36 : vector<4x1xi32>
      %shift_left3A = arith.constant 2 : i32
      %shift_left3A_38 = vector.broadcast %shift_left3A : i32 to vector<4x1xi32>
      %shift_left3A_39 = arith.shli %shift_left3A_38, %max3A_37 : vector<4x1xi32>
      %sub3A_40 = arith.constant 1 : i32
      %sub3A_41 = vector.broadcast %sub3A_40 : i32 to vector<4x1xi32>
      %sub3A_42 = arith.subi %shift_left3A_39, %sub3A_41 : vector<4x1xi32>
      %not3A = arith.constant dense<-1> : vector<4x1xi32>
      %not3A_43 = arith.xori %sub3A_42, %not3A : vector<4x1xi32>
      %and3A = arith.andi %broadcast_in_dim3A, %not3A_43 : vector<4x1xi32>
      %gt3A_44 = arith.constant 0 : i32
      %gt3A_45 = vector.broadcast %gt3A_44 : i32 to vector<4x1xi32>
      %gt3A_46 = arith.cmpi sgt, %xor3A, %gt3A_45 : vector<4x1xi32>
      %select_n3A_47 = arith.select %gt3A_46, %and3A, %broadcast_in_dim3A : vector<4x1xi1>, vector<4x1xi32>
      %reduce_max3A_48 = vector.shape_cast %select_n3A : vector<4x1xi32> to vector<1x4x1xi32>
      %reduce_max3A_49 = arith.constant dense<-2147483648> : vector<1xi32>
      %reduce_max3A_50 = vector.multi_reduction <maxsi>, %reduce_max3A_48, %reduce_max3A_49 [1, 2] : vector<1x4x1xi32> to vector<1xi32>
      %reduce_max3A_51 = vector.shape_cast %reduce_max3A_50 : vector<1xi32> to vector<1x1x1xi32>
      %reduce_max3A_52 = vector.extract %reduce_max3A_51[0, 0, 0] : i32 from vector<1x1x1xi32>
      %add3A = arith.constant 1 : i32
      %add3A_53 = arith.addi %reduce_max3A_52, %add3A : i32
      %while3A = arith.constant 0 : i32
      %while3A_54 = arith.subi %add3A_53, %while3A : i32
      %while3A_55 = arith.addi %while3A, %while3A_54 : i32
      %while3A_56 = arith.constant 1 : i32
      %while3A_57 = arith.divsi %while3A_54, %while3A_56 : i32
      %while3A_58 = arith.muli %while3A_57, %while3A_56 : i32
      %while3A_59 = arith.addi %while3A, %while3A_58 : i32
      %while3A_60 = arith.constant 1 : i32
      %while3A_61 = scf.for %while3A_129 = %while3A to %while3A_59 step %while3A_60 iter_args(%while3A_130 = %select_n3A_47) -> (vector<4x1xi32>)  : i32 {
        %sub3A_131 = vector.broadcast %while3A_129 : i32 to vector<4x1xi32>
        %sub3A_132 = arith.subi %select_n3A, %sub3A_131 : vector<4x1xi32>
        %ge3A_133 = arith.constant 0 : i32
        %ge3A_134 = vector.broadcast %ge3A_133 : i32 to vector<4x1xi32>
        %ge3A_135 = arith.cmpi sge, %sub3A_132, %ge3A_134 : vector<4x1xi32>
        %max3A_136 = arith.constant 0 : i32
        %max3A_137 = vector.broadcast %max3A_136 : i32 to vector<4x1xi32>
        %max3A_138 = arith.maxsi %sub3A_132, %max3A_137 : vector<4x1xi32>
        %shift_left3A_139 = arith.constant 1 : i32
        %shift_left3A_140 = vector.broadcast %shift_left3A_139 : i32 to vector<4x1xi32>
        %shift_left3A_141 = arith.shli %shift_left3A_140, %max3A_138 : vector<4x1xi32>
        %jit3A_142 = arith.constant 0 : i32
        %broadcast_in_dim3A_143 = vector.broadcast %jit3A_142 : i32 to vector<4x1xi32>
        %select_n3A_144 = arith.select %ge3A_135, %shift_left3A_141, %broadcast_in_dim3A_143 : vector<4x1xi1>, vector<4x1xi32>
        %or3A = arith.ori %while3A_130, %select_n3A_144 : vector<4x1xi32>
        %ge3A_145 = vector.broadcast %or3A : vector<4x1xi32> to vector<4x4096xi32>
        %ge3A_146 = arith.cmpi sge, %get3A_21, %ge3A_145 : vector<4x4096xi32>
        %convert_element_type3A_147 = arith.extui %ge3A_146 : vector<4x4096xi1> to vector<4x4096xi32>
        %reduce_sum3A_148 = arith.constant dense<0> : vector<4xi32>
        %reduce_sum3A_149 = vector.multi_reduction <add>, %convert_element_type3A_147, %reduce_sum3A_148 [1] : vector<4x4096xi32> to vector<4xi32>
        %broadcast_in_dim3A_150 = vector.shape_cast %reduce_sum3A_149 : vector<4xi32> to vector<4x1xi32>
        %ge3A_151 = vector.broadcast %get3A_18 : i32 to vector<4x1xi32>
        %ge3A_152 = arith.cmpi sge, %broadcast_in_dim3A_150, %ge3A_151 : vector<4x1xi32>
        %and3A_153 = arith.andi %ge3A_135, %ge3A_152 : vector<4x1xi1>
        %select_n3A_154 = arith.select %and3A_153, %or3A, %while3A_130 : vector<4x1xi1>, vector<4x1xi32>
        scf.yield %select_n3A_154 : vector<4x1xi32>
      }
      %while3A_62 = arith.constant 1 : i32
      %while3A_63 = scf.for %while3A_129 = %while3A_59 to %while3A_55 step %while3A_62 iter_args(%while3A_130 = %while3A_61) -> (vector<4x1xi32>)  : i32 {
        %sub3A_131 = vector.broadcast %while3A_129 : i32 to vector<4x1xi32>
        %sub3A_132 = arith.subi %select_n3A, %sub3A_131 : vector<4x1xi32>
        %ge3A_133 = arith.constant 0 : i32
        %ge3A_134 = vector.broadcast %ge3A_133 : i32 to vector<4x1xi32>
        %ge3A_135 = arith.cmpi sge, %sub3A_132, %ge3A_134 : vector<4x1xi32>
        %max3A_136 = arith.constant 0 : i32
        %max3A_137 = vector.broadcast %max3A_136 : i32 to vector<4x1xi32>
        %max3A_138 = arith.maxsi %sub3A_132, %max3A_137 : vector<4x1xi32>
        %shift_left3A_139 = arith.constant 1 : i32
        %shift_left3A_140 = vector.broadcast %shift_left3A_139 : i32 to vector<4x1xi32>
        %shift_left3A_141 = arith.shli %shift_left3A_140, %max3A_138 : vector<4x1xi32>
        %jit3A_142 = arith.constant 0 : i32
        %broadcast_in_dim3A_143 = vector.broadcast %jit3A_142 : i32 to vector<4x1xi32>
        %select_n3A_144 = arith.select %ge3A_135, %shift_left3A_141, %broadcast_in_dim3A_143 : vector<4x1xi1>, vector<4x1xi32>
        %or3A = arith.ori %while3A_130, %select_n3A_144 : vector<4x1xi32>
        %ge3A_145 = vector.broadcast %or3A : vector<4x1xi32> to vector<4x4096xi32>
        %ge3A_146 = arith.cmpi sge, %get3A_21, %ge3A_145 : vector<4x4096xi32>
        %convert_element_type3A_147 = arith.extui %ge3A_146 : vector<4x4096xi1> to vector<4x4096xi32>
        %reduce_sum3A_148 = arith.constant dense<0> : vector<4xi32>
        %reduce_sum3A_149 = vector.multi_reduction <add>, %convert_element_type3A_147, %reduce_sum3A_148 [1] : vector<4x4096xi32> to vector<4xi32>
        %broadcast_in_dim3A_150 = vector.shape_cast %reduce_sum3A_149 : vector<4xi32> to vector<4x1xi32>
        %ge3A_151 = vector.broadcast %get3A_18 : i32 to vector<4x1xi32>
        %ge3A_152 = arith.cmpi sge, %broadcast_in_dim3A_150, %ge3A_151 : vector<4x1xi32>
        %and3A_153 = arith.andi %ge3A_135, %ge3A_152 : vector<4x1xi1>
        %select_n3A_154 = arith.select %and3A_153, %or3A, %while3A_130 : vector<4x1xi1>, vector<4x1xi32>
        scf.yield %select_n3A_154 : vector<4x1xi32>
      }
      %gt3A_64 = vector.broadcast %while3A_63 : vector<4x1xi32> to vector<4x4096xi32>
      %gt3A_65 = arith.cmpi sgt, %get3A_21, %gt3A_64 : vector<4x4096xi32>
      %convert_element_type3A_66 = arith.extui %gt3A_65 : vector<4x4096xi1> to vector<4x4096xi32>
      %reduce_sum3A_67 = arith.constant dense<0> : vector<4xi32>
      %reduce_sum3A_68 = vector.multi_reduction <add>, %convert_element_type3A_66, %reduce_sum3A_67 [1] : vector<4x4096xi32> to vector<4xi32>
      %broadcast_in_dim3A_69 = vector.shape_cast %reduce_sum3A_68 : vector<4xi32> to vector<4x1xi32>
      %sub3A_70 = vector.broadcast %get3A_18 : i32 to vector<4x1xi32>
      %sub3A_71 = arith.subi %sub3A_70, %broadcast_in_dim3A_69 : vector<4x1xi32>
      %eq3A_72 = vector.broadcast %while3A_63 : vector<4x1xi32> to vector<4x4096xi32>
      %eq3A_73 = arith.cmpi eq, %get3A_21, %eq3A_72 : vector<4x4096xi32>
      %iota3A = tpu.iota {dimensions = array<i32: 1>} : vector<4x4096xi32>
      %convert_element_type3A_74 = arith.extui %eq3A_73 : vector<4x4096xi1> to vector<4x4096xi32>
      %reduce_sum3A_75 = arith.constant dense<0> : vector<4xi32>
      %reduce_sum3A_76 = vector.multi_reduction <add>, %convert_element_type3A_74, %reduce_sum3A_75 [1] : vector<4x4096xi32> to vector<4xi32>
      %broadcast_in_dim3A_77 = vector.shape_cast %reduce_sum3A_76 : vector<4xi32> to vector<4x1xi32>
      %jit3A_78 = arith.constant 4096 : i32
      %broadcast_in_dim3A_79 = vector.broadcast %jit3A_78 : i32 to vector<4x4096xi32>
      %select_n3A_80 = arith.select %eq3A_73, %iota3A, %broadcast_in_dim3A_79 : vector<4x4096xi1>, vector<4x4096xi32>
      %reduce_min3A_81 = arith.constant dense<2147483647> : vector<4xi32>
      %reduce_min3A_82 = vector.multi_reduction <minsi>, %select_n3A_80, %reduce_min3A_81 [1] : vector<4x4096xi32> to vector<4xi32>
      %broadcast_in_dim3A_83 = vector.shape_cast %reduce_min3A_82 : vector<4xi32> to vector<4x1xi32>
      %gt3A_84 = arith.constant 1 : i32
      %gt3A_85 = vector.broadcast %gt3A_84 : i32 to vector<4x1xi32>
      %gt3A_86 = arith.cmpi sgt, %sub3A_71, %gt3A_85 : vector<4x1xi32>
      %lt3A = arith.cmpi slt, %sub3A_71, %broadcast_in_dim3A_77 : vector<4x1xi32>
      %and3A_87 = arith.andi %gt3A_86, %lt3A : vector<4x1xi1>
      %ge3A = arith.cmpi sge, %sub3A_71, %broadcast_in_dim3A_77 : vector<4x1xi32>
      %jit3A_88 = arith.constant 4095 : i32
      %broadcast_in_dim3A_89 = vector.broadcast %jit3A_88 : i32 to vector<4x1xi32>
      %select_n3A_90 = arith.select %ge3A, %broadcast_in_dim3A_89, %broadcast_in_dim3A_83 : vector<4x1xi1>, vector<4x1xi32>
      %reduce_or3A = arith.constant 1.000000e+00 : f32
      %reduce_or3A_91 = arith.constant 0.000000e+00 : f32
      %reduce_or3A_92 = vector.broadcast %reduce_or3A : f32 to vector<4x1xf32>
      %reduce_or3A_93 = vector.broadcast %reduce_or3A_91 : f32 to vector<4x1xf32>
      %reduce_or3A_94 = arith.select %and3A_87, %reduce_or3A_92, %reduce_or3A_93 : vector<4x1xi1>, vector<4x1xf32>
      %reduce_or3A_95 = vector.shape_cast %reduce_or3A_94 : vector<4x1xf32> to vector<1x4x1xf32>
      %reduce_or3A_96 = arith.constant dense<0xFF800000> : vector<1xf32>
      %reduce_or3A_97 = vector.multi_reduction <maximumf>, %reduce_or3A_95, %reduce_or3A_96 [1, 2] : vector<1x4x1xf32> to vector<1xf32>
      %reduce_or3A_98 = vector.shape_cast %reduce_or3A_97 : vector<1xf32> to vector<1x1x1xf32>
      %reduce_or3A_99 = vector.extract %reduce_or3A_98[0, 0, 0] : f32 from vector<1x1x1xf32>
      %reduce_or3A_100 = arith.constant 0.000000e+00 : f32
      %reduce_or3A_101 = arith.cmpf ogt, %reduce_or3A_99, %reduce_or3A_100 : f32
      %jit3A_102 = arith.constant 13 : i32
      %jit3A_103 = arith.constant 0 : i32
      %select_n3A_104 = arith.select %reduce_or3A_101, %jit3A_102, %jit3A_103 : i32
      %jit3A_105 = arith.constant 0 : i32
      %broadcast_in_dim3A_106 = vector.broadcast %jit3A_105 : i32 to vector<4x1xi32>
      %select_n3A_107 = arith.select %and3A_87, %broadcast_in_dim3A_106, %select_n3A_90 : vector<4x1xi1>, vector<4x1xi32>
      %while3A_108 = arith.constant 0 : i32
      %while3A_109 = arith.subi %select_n3A_104, %while3A_108 : i32
      %while3A_110 = arith.addi %while3A_108, %while3A_109 : i32
      %while3A_111 = arith.constant 1 : i32
      %while3A_112 = arith.divsi %while3A_109, %while3A_111 : i32
      %while3A_113 = arith.muli %while3A_112, %while3A_111 : i32
      %while3A_114 = arith.addi %while3A_108, %while3A_113 : i32
      %while3A_115 = arith.constant 1 : i32
      %while3A_116 = scf.for %while3A_129 = %while3A_108 to %while3A_114 step %while3A_115 iter_args(%while3A_130 = %select_n3A_107) -> (vector<4x1xi32>)  : i32 {
        %shift_right_arithmetic3A_131 = arith.constant 4096 : i32
        %shift_right_arithmetic3A_132 = arith.shrsi %shift_right_arithmetic3A_131, %while3A_129 : i32
        %add3A_133 = vector.broadcast %shift_right_arithmetic3A_132 : i32 to vector<4x1xi32>
        %add3A_134 = arith.addi %while3A_130, %add3A_133 : vector<4x1xi32>
        %lt3A_135 = vector.broadcast %add3A_134 : vector<4x1xi32> to vector<4x4096xi32>
        %lt3A_136 = arith.cmpi slt, %iota3A, %lt3A_135 : vector<4x4096xi32>
        %and3A_137 = arith.andi %eq3A_73, %lt3A_136 : vector<4x4096xi1>
        %convert_element_type3A_138 = arith.extui %and3A_137 : vector<4x4096xi1> to vector<4x4096xi32>
        %reduce_sum3A_139 = arith.constant dense<0> : vector<4xi32>
        %reduce_sum3A_140 = vector.multi_reduction <add>, %convert_element_type3A_138, %reduce_sum3A_139 [1] : vector<4x4096xi32> to vector<4xi32>
        %broadcast_in_dim3A_141 = vector.shape_cast %reduce_sum3A_140 : vector<4xi32> to vector<4x1xi32>
        %lt3A_142 = arith.cmpi slt, %broadcast_in_dim3A_141, %sub3A_71 : vector<4x1xi32>
        %and3A_143 = arith.andi %and3A_87, %lt3A_142 : vector<4x1xi1>
        %select_n3A_144 = arith.select %and3A_143, %add3A_134, %while3A_130 : vector<4x1xi1>, vector<4x1xi32>
        scf.yield %select_n3A_144 : vector<4x1xi32>
      }
      %while3A_117 = arith.constant 1 : i32
      %while3A_118 = scf.for %while3A_129 = %while3A_114 to %while3A_110 step %while3A_117 iter_args(%while3A_130 = %while3A_116) -> (vector<4x1xi32>)  : i32 {
        %shift_right_arithmetic3A_131 = arith.constant 4096 : i32
        %shift_right_arithmetic3A_132 = arith.shrsi %shift_right_arithmetic3A_131, %while3A_129 : i32
        %add3A_133 = vector.broadcast %shift_right_arithmetic3A_132 : i32 to vector<4x1xi32>
        %add3A_134 = arith.addi %while3A_130, %add3A_133 : vector<4x1xi32>
        %lt3A_135 = vector.broadcast %add3A_134 : vector<4x1xi32> to vector<4x4096xi32>
        %lt3A_136 = arith.cmpi slt, %iota3A, %lt3A_135 : vector<4x4096xi32>
        %and3A_137 = arith.andi %eq3A_73, %lt3A_136 : vector<4x4096xi1>
        %convert_element_type3A_138 = arith.extui %and3A_137 : vector<4x4096xi1> to vector<4x4096xi32>
        %reduce_sum3A_139 = arith.constant dense<0> : vector<4xi32>
        %reduce_sum3A_140 = vector.multi_reduction <add>, %convert_element_type3A_138, %reduce_sum3A_139 [1] : vector<4x4096xi32> to vector<4xi32>
        %broadcast_in_dim3A_141 = vector.shape_cast %reduce_sum3A_140 : vector<4xi32> to vector<4x1xi32>
        %lt3A_142 = arith.cmpi slt, %broadcast_in_dim3A_141, %sub3A_71 : vector<4x1xi32>
        %and3A_143 = arith.andi %and3A_87, %lt3A_142 : vector<4x1xi1>
        %select_n3A_144 = arith.select %and3A_143, %add3A_134, %while3A_130 : vector<4x1xi1>, vector<4x1xi32>
        scf.yield %select_n3A_144 : vector<4x1xi32>
      }
      %broadcast_in_dim3A_119 = vector.shape_cast %while3A_63 : vector<4x1xi32> to vector<4x1xi32>
      %broadcast_in_dim3A_120 = vector.broadcast %broadcast_in_dim3A_119 : vector<4x1xi32> to vector<4x16xi32>
      %swap3A_121 = arith.constant 0 : index
      %swap3A_122 = arith.constant 0 : index
      %swap3A_123 = vector.load %arg5[%swap3A_121, %swap3A_122] : memref<4x16xi32, #tpu.memory_space<vmem>>, vector<4x16xi32>
      tpu.vector_store %arg5[%swap3A_121, %swap3A_122], %broadcast_in_dim3A_120 {strides = array<i32>} : memref<4x16xi32, #tpu.memory_space<vmem>>, vector<4x16xi32>,
      %broadcast_in_dim3A_124 = vector.shape_cast %while3A_118 : vector<4x1xi32> to vector<4x1xi32>
      %broadcast_in_dim3A_125 = vector.broadcast %broadcast_in_dim3A_124 : vector<4x1xi32> to vector<4x16xi32>
      %swap3A_126 = arith.constant 0 : index
      %swap3A_127 = arith.constant 0 : index
      %swap3A_128 = vector.load %arg6[%swap3A_126, %swap3A_127] : memref<4x16xi32, #tpu.memory_space<vmem>>, vector<4x16xi32>
      tpu.vector_store %arg6[%swap3A_126, %swap3A_127], %broadcast_in_dim3A_125 {strides = array<i32>} : memref<4x16xi32, #tpu.memory_space<vmem>>, vector<4x16xi32>,
    } else {
    }
    return
  }
  func.func @transform_0(%arg0: i32) -> i32 {
    %c0_i32 = arith.constant 0 : i32
    %c0_i32_0 = arith.constant 0 : i32
    return %c0_i32 : i32
  }
  func.func @transform_1(%arg0: i32) -> (i32, i32, i32) {
    %c0_i32 = arith.constant 0 : i32
    %c0_i32_0 = arith.constant 0 : i32
    %c0_i32_1 = arith.constant 0 : i32
    return %c0_i32, %arg0, %c0_i32_0 : i32, i32, i32
  }
  func.func @transform_2(%arg0: i32) -> (i32, i32, i32) {
    %c0_i32 = arith.constant 0 : i32
    %c0_i32_0 = arith.constant 0 : i32
    %c0_i32_1 = arith.constant 0 : i32
    return %c0_i32, %arg0, %c0_i32_0 : i32, i32, i32
  }
  func.func @transform_3(%arg0: i32) -> (i32, i32) {
    %c0_i32 = arith.constant 0 : i32
    %c0_i32_0 = arith.constant 0 : i32
    return %c0_i32, %arg0 : i32, i32
  }
  func.func @transform_4(%arg0: i32) -> (i32, i32) {
    %c0_i32 = arith.constant 0 : i32
    %c0_i32_0 = arith.constant 0 : i32
    %c0_i32_1 = arith.constant 0 : i32
    return %c0_i32, %c0_i32_0 : i32, i32
  }
  func.func @transform_5(%arg0: i32) -> (i32, i32) {
    %c0_i32 = arith.constant 0 : i32
    %c0_i32_0 = arith.constant 0 : i32
    %c0_i32_1 = arith.constant 0 : i32
    return %c0_i32, %c0_i32_0 : i32, i32
  }
}

</mosaic_0001>

<sc_bundles>
// kernel: kernel.4.cloned.1.call-start
scs
__scs_entry_jumppad:
0x0: {  	(pc) =	sbr.rel $0x88, $3  }
0x1: {  	(tag) =	ssettag $0x0;
	lr =	simm.s32 $0x1  }
0x2: {  	[smem:$0x3F9F] =	sst lr;
	_ =	strace $0xD0000000  }
0x3: {  	_ = 	snop  }
0x4: {  	_ = 	snop  }
0x5: {  	_ = 	snop  }
0x6: {  	_ = 	snop  }
0x7: {  	_ = 	snop  }
__scs_overlays_trampoline_lowered:
0x8: {  	[smem:$0x3FAE] =	sst s0  }
0x9: {  	[smem:$0x3FAF] =	sst s1  }
0xa: {  	[smem:$0x3FB0] =	sst s2  }
0xb: {  	[smem:$0x3FB1] =	sst s3  }
0xc: {  	[smem:$0x3FB2] =	sst s4  }
0xd: {  	[smem:$0x3FB3] =	sst s5  }
0xe: {  	[smem:$0x3FB4] =	sst s6  }
0xf: {  	[smem:$0x3FB5] =	sst s7  }
0x10: {  	[smem:$0x3FB6] =	sst s8  }
0x11: {  	[smem:$0x3FB7] =	sst s9;
	s0 =	simm.s32 @!p0 $0x0  }
0x12: {  	s1 =	sld [smem:$0x3F9D];
	s0 =	simm.s32 @p0 $0x1  }
0x13: {  	[smem:$0x3FB8] =	sst s0;
	s0 =	simm.s32 @!p1 $0x0  }
0x14: {  	s2 =	sld [smem:$0x3F9C];
	s0 =	simm.s32 @p1 $0x1  }
0x15: {  	[smem:$0x3FB9] =	sst s0;
	s0 =	simm.s32 @!p2 $0x0  }
0x16: {  	s3 =	sld [smem:$0x3FDB];
	s0 =	simm.s32 @p2 $0x1  }
0x17: {  	s4 =	simm.s32 $0x1BF5;
	[smem:$0x3FBB] =	sst s0  }
0x18: {  	s0 =	sld [smem:$0x3F9E];
	_ =	swait.ge [sflag:s4], $0x0  }
0x19: {  	s7 =	sld [smem:$0x3F9F]  }
0x1a: {  	s8 =	sadd.s32 $0xFFFFE003, lr  }
0x1b: {  	s9 =	sadd.s32 $0xFFFFFEF7, lr;
	s5 =	simm.s32 $0xFFFFFFFF;
	p2 =	slt.u32 s8, $0xFFFFF086  }
0x1c: {  	p1 =	slt.u32 s9, $0xF7A;
	s5 =	simm.s32 @!p2 $0x0  }
0x1d: {  	s5 =	simm.s32 @p1 $0x1;
	p0 =	seq.s32 s7, s2  }
0x1e: {  	s7 =	smul.u32 @!p0 $0xF7A, s2;
	p2 =	seq.s32 @!p0 s5, $0x0  }
0x1f: {  	s9 =	smul.u32 $0xF7A, s1;
	s8 =	simm.s32 @!p0 $0x1BF5;
	p2 =	por !p2, p0  }
0x20: {  	[sflag:s8] =	ssyncset.s32 @!p0 $0xFFFFF086;
	s6 =	sadd.s32 @!p0 s3, s7;
	s7 =	simm.s32 @!p0 $0x108  }
0x21: {  	s3 =	sadd.s32 s3, s9;
	s6 =	sadd.s32 @!p0 $0x88, s6;
	s7 =	simm.s32 @p2 $0x1082  }
0x22: {  	[simem:s7], [sflag:s8] =	dma.local @!p0 [hbm:s6], $0xF7A  }
0x23: {  	s9 =	sor.u32 $0xD0000000, s2;
	s6 =	simm.s32 $0x108;
	_ =	swait.ge @!p0 [sflag:s8], $0x0  }
0x24: {  	s3 =	sadd.s32 $0x88, s3;
	s6 =	simm.s32 @!p1 $0x1082;
	[sflag:s4] =	ssyncset.s32 $0xFFFFF086  }
0x25: {  	[simem:s6], [sflag:s4] =	dma.local [hbm:s3], $0xF7A  }
0x26: {  	[smem:$0x3F9F] =	sst s1;
	(tag) =	ssettag s2;
	_ =	strace s9  }
0x27: {  	s1 =	sld [smem:$0x3FAF]  }
0x28: {  	s2 =	sld [smem:$0x3FB0]  }
0x29: {  	s4 =	sld [smem:$0x3FB2]  }
0x2a: {  	p0 =	seq.s32 s5, $0x0;
	s5 =	sld [smem:$0x3FB3]  }
0x2b: {  	s6 =	sld [smem:$0x3FB4]  }
0x2c: {  	s7 =	sld [smem:$0x3FB5]  }
0x2d: {  	s3 =	simm.s32 $0x108;
	s8 =	sld [smem:$0x3FB6]  }
0x2e: {  	s3 =	simm.s32 @!p0 $0x1082;
	s9 =	sld [smem:$0x3FB7]  }
0x2f: {  	lr =	sadd.s32 s0, s3;
	s0 =	sld [smem:$0x3FAE]  }
0x30: {  	s3 =	sld [smem:$0x3FB1]  }
0x31: {  	[smem:$0x3FBA] =	sst s10  }
0x32: {  	s10 =	sld [smem:$0x3FB8];
	_ =	sdelay $0x3  }
0x33: {  	p0 =	seq.s32 s10, $0x1;
	s10 =	sld [smem:$0x3FBA];
	_ =	sdelay $0x3  }
0x34: {  	[smem:$0x3FBA] =	sst s10  }
0x35: {  	s10 =	sld [smem:$0x3FB9];
	_ =	sdelay $0x3  }
0x36: {  	p1 =	seq.s32 s10, $0x1;
	s10 =	sld [smem:$0x3FBA];
	_ =	sdelay $0x3  }
0x37: {  	[smem:$0x3FBA] =	sst s10  }
0x38: {  	s10 =	sld [smem:$0x3FBB]  }
0x39: {  	_ = 	snop;
	(pc) =	sbr.ind lr, $3  }
0x3a: {  	_ = 	snop  }
0x3b: {  	_ = 	snop  }
0x3c: {  	p2 =	seq.s32 s10, $0x1;
	s10 =	sld [smem:$0x3FBA]  }
0x3d: {  	_ =	shalt  }
0x3e: {  	_ =	shalt  }
0x3f: {  	_ =	shalt  }
0x40: {  	_ =	shalt  }
0x41: {  	_ =	shalt  }
0x42: {  	_ =	shalt  }
0x43: {  	_ =	shalt  }
0x44: {  	_ =	shalt  }
0x45: {  	_ =	shalt  }
0x46: {  	_ =	shalt  }
0x47: {  	_ =	shalt  }
0x48: {  	_ =	shalt  }
0x49: {  	_ =	shalt  }
0x4a: {  	_ =	shalt  }
0x4b: {  	_ =	shalt  }
0x4c: {  	_ =	shalt  }
0x4d: {  	_ =	shalt  }
0x4e: {  	_ =	shalt  }
0x4f: {  	_ =	shalt  }
0x50: {  	_ =	shalt  }
0x51: {  	_ =	shalt  }
0x52: {  	_ =	shalt  }
0x53: {  	_ =	shalt  }
0x54: {  	_ =	shalt  }
0x55: {  	_ =	shalt  }
0x56: {  	_ =	shalt  }
0x57: {  	_ =	shalt  }
0x58: {  	_ =	shalt  }
0x59: {  	_ =	shalt  }
0x5a: {  	_ =	shalt  }
0x5b: {  	_ =	shalt  }
0x5c: {  	_ =	shalt  }
0x5d: {  	_ =	shalt  }
0x5e: {  	_ =	shalt  }
0x5f: {  	_ =	shalt  }
0x60: {  	_ =	shalt  }
0x61: {  	_ =	shalt  }
0x62: {  	_ =	shalt  }
0x63: {  	_ =	shalt  }
0x64: {  	_ =	shalt  }
0x65: {  	_ =	shalt  }
0x66: {  	_ =	shalt  }
0x67: {  	_ =	shalt  }
0x68: {  	_ =	shalt  }
0x69: {  	_ =	shalt  }
0x6a: {  	_ =	shalt  }
0x6b: {  	_ =	shalt  }
0x6c: {  	_ =	shalt  }
0x6d: {  	_ =	shalt  }
0x6e: {  	_ =	shalt  }
0x6f: {  	_ =	shalt  }
0x70: {  	_ =	shalt  }
0x71: {  	_ =	shalt  }
0x72: {  	_ =	shalt  }
0x73: {  	_ =	shalt  }
0x74: {  	_ =	shalt  }
0x75: {  	_ =	shalt  }
0x76: {  	_ =	shalt  }
0x77: {  	_ =	shalt  }
0x78: {  	_ =	shalt  }
0x79: {  	_ =	shalt  }
0x7a: {  	_ =	shalt  }
0x7b: {  	_ =	shalt  }
0x7c: {  	_ =	shalt  }
0x7d: {  	_ =	shalt  }
0x7e: {  	_ =	shalt  }
0x7f: {  	_ =	shalt  }
0x80: {  	_ =	shalt  }
0x81: {  	_ =	shalt  }
0x82: {  	_ =	shalt  }
0x83: {  	_ =	shalt  }
0x84: {  	_ =	shalt  }
0x85: {  	_ =	shalt  }
0x86: {  	_ =	shalt  }
0x87: {  	_ =	shalt  }
.Lfunc_end0:
.L_simem_size_0:
called_computation_lowered:
.L_overlay_start_0:
0x88: {  	s2 =	sld [smem:$0x3FD9]  }
0x89: {  	s3 =	sld [smem:$0x3FFE];
	_ =	sdelay $0x1  }
0x8a: {  	s1 =	srdreg.scid  }
0x8b: {  	s0 =	sand.u32 $0x1, s1  }
0x8c: {  	s17 =	sshll.u32 s0, $0xA;
	s2 =	sadd.s32 s3, s2  }
0x8d: {  	s2 =	sadd.s32 s2, s17  }
0x8e: {  	[smem:$0x3FC6] =	sst s2  }
0x8f: {  	_ = 	snop  }
0x90: {  	s2 =	sld [smem:$0x3FD0];
	(tm) =	ssettm $0x1  }
0x91: {  	s18 =	sld [smem:$0x3FFB];
	_ =	sdelay $0x3  }
0x92: {  	_ =	strace s18  }
0x93: {  	s3 =	sld [smem:$0x3FFC];
	_ =	sdelay $0x3  }
0x94: {  	_ =	strace s3  }
0x95: {  	s3 =	sld [smem:$0x3FFD];
	_ =	sdelay $0x3  }
0x96: {  	_ =	strace s3  }
0x97: {  	_ =	strace $0x8FFFFFFF  }
0x98: {  	s19 =	sld [smem:$0x3FDB];
	_ =	sdelay $0x1  }
0x99: {  	s4 =	simm.s32 $_scs_section_size  }
0x9a: {  	s5 =	simm.s32 $_size__tile_overlayer_lowered;
	s6 =	simm.s32 $_tile_overlayer_lowered  }
0x9b: {  	s22 =	simm.s32 $0x1BFF;
	s21 =	sshll.u32 s6, $0x1;
	s3 =	sadd.s32 s4, s19  }
0x9c: {  	s7 =	simm.s32 $0x0;
	s20 =	sshll.u32 s5, $0x1;
	s5 =	sadd.s32 s21, s3  }
0x9d: {  	[timem:s7], [sflag:s22] =	dma.local [hbm:s5], s20  }
0x9e: {  	_ =	swait.ge [sflag:s22], s20  }
0x9f: {  	s4 =	ssub.s32 $0x0, s20;
	[sflag:s22] =	ssyncset.done $0x0  }
0xa0: {  	[sflag:s22] =	ssyncadd.s32 s4;
	_ =	sdelay $0x1  }
0xa1: {  	s23 =	simm.s32 $0x1B8B  }
0xa2: {  	_ =	swait.ge [sflag:s23], $0x1  }
0xa3: {  	[sflag:s23] =	ssyncset.done $0x0  }
0xa4: {  	s25 =	simm.s32 $0x1B8E;
	s24 =	sld [smem:$0x3FFE];
	[sflag:s23] =	ssyncadd.s32 $0xFFFFFFFF  }
0xa5: {  	s26 =	simm.s32 $execute0_lowered;
	[smem:$0x3FD2] =	sst s25  }
0xa6: {  	s5 =	sshll.u32 s26, $0x1;
	_ =	strace $0x80000046;
	[dreg:$0x1] =	wrdreg $0xFFFFFFFF  }
0xa7: {  	s28 =	simm.s32 $_size_execute0_lowered;
	s3 =	sadd.s32 s3, s5;
	[dreg:$0x0] =	wrdreg $0x0  }
0xa8: {  	s5 =	sshll.u32 s28, $0x1;
	[dreg:$0x2] =	wrdreg s3  }
0xa9: {  	[dreg:$0x3] =	wrdreg s5  }
0xaa: {  	[dreg:$0x4] =	wrdreg $0xC0  }
0xab: {  	_ =	task [dreg:s7], $0x5FFFF  }
0xac: {  	[dreg:$0x1] =	wrdreg $0xFFFFFFFF  }
0xad: {  	[dreg:$0x0] =	wrdreg $0x60  }
0xae: {  	[dreg:$0x2] =	wrdreg s2  }
0xaf: {  	[dreg:$0x3] =	wrdreg s24  }
0xb0: {  	[dreg:$0x4] =	wrdreg $0x9  }
0xb1: {  	_ =	task.clear_ibuf [dreg:s7], $0x5FFFF;
	_ =	strace $0x90000046  }
0xb2: {  	s29 =	simm.s32 $0x9;
	_ =	strace $0x80000048  }
0xb3: {  	_ =	swait.ge [sflag:s29], $0x1  }
0xb4: {  	[sflag:s29] =	ssyncadd.s32 $0xFFFFFFFF  }
0xb5: {  	_ =	strace $0x90000048  }
0xb6: {  	_ =	sfence  }
0xb7: {  	s30 =	sld [smem:$0x0];
	_ =	sdelay $0x2  }
0xb8: {  	s31 =	sshll.u32 s1, $0xD;
	s1 =	sshrl.u32 s1, $0x2  }
0xb9: {  	s3 =	sand.u32 $0x4000, s31;
	s1 =	sadd.s32 s1, s30  }
0xba: {  	s0 =	sor.u32 s3, s0;
	s1 =	sshll.u32 s1, $0x11  }
0xbb: {  	s0 =	sor.u32 s1, s0  }
0xbc: {  	s0 =	sadd.s32 $0x8F2B, s0  }
0xbd: {  	[sflag:s0] =	ssyncadd.remote.s32 $0x1  }
0xbe: {  	_ =	sfence.sel $0xFFFF  }
0xbf: {  	[dreg:$0x0] =	wrdreg $0xFFFFFFFF;
	(pc) =	sbr.abs _section_cstart, $3  }
0xc0: {  	[dreg:$0x1] =	wrdreg $0xFFFFFFFF  }
0xc1: {  	_ =	task.clear_ibuf [dreg:s7], $0x2FFFF;
	_ =	strace $0x9FFFFFFF  }
0xc2: {  	(tm) =	ssettm $0x7FFFFFFF  }
0xc3: {  	_ =	shalt  }
tec
execute0_lowered:
.L_overlay_start_1:
0x0: {  	(tag) =	ssettag $0x1  }
0x1: {  	s2 =	rddreg [dreg:$0x0]  }
0x2: {  	s0 =	rddreg [dreg:$0x1];
	s3 =	simm.s32 $0x0;
	s14 =	stileid.u32  }
0x3: {  	s1 =	srdreg.scid;
	s23 =	simm.s32 $0xC80;
	s24 =	simm.s32 $0x1480  }
0x4: {  	s28 =	simm.s32 $0x2C80;
	s29 =	simm.s32 $0x3480;
	s30 =	simm.s32 $0x3C80  }
0x5: {  	s31 =	simm.s32 $0x4480;
	s16 =	simm.s32 $0x5C80;
	s17 =	simm.s32 $0x6480  }
0x6: {  	s18 =	simm.s32 $0x6C80;
	s19 =	simm.s32 $0x7480;
	[smem:$0x7FF] =	sst s3  }
0x7: {  	s4 =	sshll.u32 s14, $0x1;
	s5 =	sshrl.u32 s14, $0x2;
	s1 =	sand.u32 $0x1, s1  }
0x8: {  	s8 =	sadd.s32 $0x200, s2;
	s9 =	sadd.s32 $0x300, s2;
	s10 =	sadd.s32 $0x400, s2  }
0x9: {  	s11 =	sadd.s32 $0x500, s2;
	s12 =	sadd.s32 $0x600, s2;
	s13 =	sadd.s32 $0x700, s2  }
0xa: {  	s25 =	sand.u32 $0x3, s14;
	s14 =	simm.s32 $0x0;
	s4 =	sand.u32 $0x6, s4  }
0xb: {  	s6 =	sshll.u32 s5, $0x4;
	s7 =	ssub.s32 $0x2, s1;
	_ =	strace $0x80000047  }
0xc: {  	s22 =	sshll.u32 s5, $0xC;
	s4 =	sor.u32 s1, s4;
	s0 =	sadd.s32 s6, s0  }
0xd: {  	s20 =	sshrl.u32 s7, $0x1;
	s1 =	sshll.u32 s1, $0x9;
	s4 =	sshll.u32 s4, $0x8  }
0xe: {  	s6 =	ssub.s32 s7, s20;
	s21 =	sadd.s32 $0x1400, s0;
	s7 =	sadd.s32 $0x100, s2  }
0xf: {  	s4 =	sadd.s32 s4, s0;
	[dreg:$0x4] =	wrdreg s21;
	s0 =	sadd.s32 $0x1600, s0  }
.Ltmp0:
0x10: {  	s26 =	smax.u32 s6, $0x1;
	[dreg:$0x5] =	wrdreg s0;
	(pc) =	sbr.rel .LBB2_1-.Ltmp0, $4  }
0x11: {  	s20 =	simm.s32 $0x1;
	s4 =	sadd.s32 $0xC00, s4;
	[dreg:$0x6] =	wrdreg s26  }
0x12: {  	v0 =	vlaneseq.u32;
	v2 =	vimm.f32 $0.0e+00;
	v3 =	vimm.s32 $0x0;
	s26 =	simm.s32 $0x2480;
	[dreg:$0x3] =	wrdreg s4;
	s4 =	sshll.u32 s25, $0xA  }
0x13: {  	vm0 =	vmmov $0xffff;
	v4 =	vand.u32 $0x7, v0;
	v5 =	vshrl.u32 v0, $0x3;
	s0 =	simm.s32 $0x4C80;
	s25 =	simm.s32 $0x1C80;
	s1 =	sor.u32 s1, s4  }
0x14: {  	v6 =	vor.u32 $0x8, v0;
	v5 =	vmul.u32 $0x8, v5;
	v1 =	vor.u32 s22, v0;
	s4 =	simm.s32 $0x7C80;
	[dreg:$0x7] =	wrdreg s1;
	s1 =	simm.s32 $0x5480  }
.LBB2_10:
0x15: {  	[sflag:s20] =	ssyncadd.s32 $0xFFFF8000;
	s14 =	rddreg [dreg:$0x8]  }
.LBB2_11:
0x16: {  	s14 =	sadd.s32 $0x1, s14;
	s5 =	rddreg [dreg:$0x6]  }
0x17: {  	p0 =	sne.s32 s14, s5  }
.Ltmp1:
0x18: {  	_ = 	snop;
	(pc) =	sbr.rel @!p0 .LBB2_12-.Ltmp1, $1  }
0x19: {  	_ =	sdelay $0x3  }
.LBB2_1:
0x1a: {  	s5 =	rddreg [dreg:$0x3];
	s6 =	simm.s32 $0x80;
	s15 =	simm.s32 $0x200  }
0x1b: {  	[tilespmem:s3], [sflag:$0x1] =	stream.strided.gather [hbm4b:s5+s6], $0x200, s15, s6, $0x38;
	[tilespmem:$0x8580] =	vst v63  }
0x1c: {  	s21 =	rddreg [dreg:$0x4];
	s22 =	simm.s32 $0x8480  }
0x1d: {  	[tilespmem:s22], [sflag:$0x2] =	stream.linear.gather [hbm4b:s21+s3], $0x80, $0x38;
	[tilespmem:$0x8580] =	vst v63  }
0x1e: {  	[dreg:$0x8] =	wrdreg s14;
	s21 =	sand.u32 $0x70, s3;
	s22 =	sand.u32 $0x3C00, s3  }
0x1f: {  	s14 =	rddreg [dreg:$0x5];
	s15 =	simm.s32 $0x8500;
	s6 =	sor.u32 s21, s22  }
0x20: {  	[tilespmem:s15], [sflag:$0x2] =	stream.linear.gather [hbm4b:s14+s3], $0x80, $0x38;
	[tilespmem:$0x8580] =	vst v63  }
0x21: {  	[tilespmem:s6+$0x500] =	vst v2  }
0x22: {  	[tilespmem:s6+$0x580] =	vst v2  }
0x23: {  	s5 =	sand.u32 $0x7, s3;
	[tilespmem:s6+$0x600] =	vst v2  }
0x24: {  	s21 =	simm.s32 $0x0;
	s15 =	simm.s32 $0x10;
	s14 =	simm.s32 $0x0;
	[tilespmem:s6+$0x680] =	vst v2  }
.LBB2_2:
0x25: {  	p0 =	sne.s32 s15, $0x7F0;
	s5 =	sshll.u32 s5, $0x4;
	[tilespmem:s6+$0x700] =	vst v2  }
0x26: {  	s5 =	sadd.s32 s5, s14;
	[tilespmem:s6+$0x780] =	vst v2  }
0x27: {  	[tilespmem:s6+$0x480] =	vst v2;
	s5 =	sor.u32 $0x380, s5  }
0x28: {  	[tilespmem:s5+$0x480] =	vst v2  }
0x29: {  	[tilespmem:s6+$0x4480] =	vst v2  }
0x2a: {  	[tilespmem:s6+$0x4500] =	vst v2  }
0x2b: {  	[tilespmem:s6+$0x4580] =	vst v2  }
0x2c: {  	[tilespmem:s6+$0x4600] =	vst v2  }
0x2d: {  	[tilespmem:s6+$0x4680] =	vst v2  }
0x2e: {  	s14 =	sadd.s32 $0x80, s14;
	[tilespmem:s6+$0x4700] =	vst v2  }
0x2f: {  	s22 =	sand.u32 $0x3C00, s14;
	s5 =	sand.u32 $0x70, s15;
	[tilespmem:s6+$0x4780] =	vst v2  }
.Ltmp2:
0x30: {  	[tilespmem:s6+$0x4800] =	vst v2;
	s6 =	sor.u32 s5, s22;
	(pc) =	sbr.rel @p0 .LBB2_2-.Ltmp2, $4  }
0x31: {  	[tilespmem:s6+$0x500] =	vst v2  }
0x32: {  	[tilespmem:s6+$0x580] =	vst v2  }
0x33: {  	s21 =	sadd.s32 $0x1, s21;
	[tilespmem:s6+$0x600] =	vst v2  }
0x34: {  	s15 =	sadd.s32 $0x10, s15;
	s5 =	sand.u32 $0x7, s21;
	[tilespmem:s6+$0x680] =	vst v2  }
0x35: {  	s5 =	sshll.u32 s5, $0x4;
	[tilespmem:s6+$0x700] =	vst v2  }
0x36: {  	[tilespmem:s6+$0x780] =	vst v2;
	s5 =	sadd.s32 s5, s14  }
0x37: {  	[tilespmem:s6+$0x480] =	vst v2;
	s5 =	sor.u32 $0x380, s5  }
0x38: {  	[tilespmem:s5+$0x480] =	vst v2  }
0x39: {  	[tilespmem:s6+$0x4480] =	vst v2  }
0x3a: {  	[tilespmem:s6+$0x4500] =	vst v2  }
0x3b: {  	[tilespmem:s6+$0x4580] =	vst v2  }
0x3c: {  	[tilespmem:s6+$0x4600] =	vst v2  }
0x3d: {  	[tilespmem:s6+$0x4680] =	vst v2  }
0x3e: {  	[tilespmem:s6+$0x4700] =	vst v2  }
0x3f: {  	[tilespmem:s6+$0x4780] =	vst v2  }
0x40: {  	[tilespmem:s6+$0x4800] =	vst v2  }
0x41: {  	_ =	swait.ge [sflag:s20], $0x200  }
0x42: {  	[sflag:s20] =	ssyncset.done $0x0  }
0x43: {  	s15 =	simm.s32 $0x2;
	[sflag:s20] =	ssyncadd.s32 $0xFFFFFE00  }
0x44: {  	_ =	swait.ge [sflag:s15], $0x80  }
0x45: {  	[sflag:s15] =	ssyncset.done $0x0  }
0x46: {  	[sflag:s15] =	ssyncadd.s32 $0xFFFFFF80  }
0x47: {  	_ =	swait.ge [sflag:s15], $0x80  }
0x48: {  	[sflag:s15] =	ssyncset.done $0x0  }
0x49: {  	[sflag:s15] =	ssyncadd.s32 $0xFFFFFF80  }
0x4a: {  	v7 =	vld [tilespmem:$0x8480]  }
0x4b: {  	s21 =	simm.s32 $0x0;
	v8 =	vld [tilespmem:$0x8500]  }
0x4c: {  	v9 =	vld [tilespmem:s21+$0x0];
	_ =	sdelay $0x2  }
0x4d: {  	s21 =	rddreg [dreg:$0x7]  }
0x4e: {  	v10 =	vor.u32 s21, v0  }
0x4f: {  	vm1 =	veq.s32 v9, v7;
	vm2 =	vle.s32 v10, v8  }
0x50: {  	vm3 =	vgt.s32 v9, v7;
	vm1 =	vmand vm2, vm1  }
0x51: {  	vm1 =	vmor vm3, vm1  }
0x52: {  	vm2 =	vmneg vm1;
	v9 =	vsel vm1, $0x1, v3  }
0x53: {  	v10 =	vor.u32 s21, v1;
	v9 =	vor.u32 $0x80000000, v9;
	v11 =	vmpcnt.ones.xlane vm2  }
0x54: {  	(xrf1) =	vsort.ascd.msk.u32 $0xffff, v9, v10  }
0x55: {  	(v2sf) =	vpush v11, $0x0;
	_ =	sdelay $0xc  }
0x56: {  	s6 =	simm.s32 $0x0;
	_, v9, _ =	vpop (xrf1)  }
0x57: {  	s22 =	simm.s32 $0x10;
	[tilespmem:s6+$0x200] =	vst v9  }
0x58: {  	s5 =	simm.s32 $0x80;
	s14 =	smov.u32 s21;
	v9 =	vld [tilespmem:s22+$0x0];
	s15 =	spop (v2sf)  }
.LBB2_4:
0x59: {  	s6 =	sadd.s32 s6, s15  }
0x5a: {  	s14 =	sadd.s32 $0x10, s14;
	s15 =	smov.u32 s5;
	s21 =	sadd.s32 $0x40, s5  }
0x5b: {  	p0 =	sne.s32 s5, $0x7C0;
	_ =	sdelay $0x1  }
0x5c: {  	v10 =	vor.u32 s14, v0  }
0x5d: {  	vm2 =	vle.s32 v10, v8;
	vm1 =	veq.s32 v9, v7  }
0x5e: {  	vm3 =	vgt.s32 v9, v7;
	vm1 =	vmand vm2, vm1  }
0x5f: {  	vm1 =	vmor vm3, vm1  }
0x60: {  	vm2 =	vmneg vm1;
	v9 =	vsel vm1, $0x1, v3  }
0x61: {  	v10 =	vor.u32 s14, v1;
	v9 =	vor.u32 $0x80000000, v9;
	v11 =	vmpcnt.ones.xlane vm2  }
0x62: {  	(xrf1) =	vsort.ascd.msk.u32 $0xffff, v9, v10  }
0x63: {  	(v2sf) =	vpush v11, $0x0;
	_ =	sdelay $0xa  }
.Ltmp3:
0x64: {  	(pc) =	sbr.rel @p0 .LBB2_4-.Ltmp3, $4  }
0x65: {  	_ = 	snop  }
0x66: {  	_, v9, _ =	vpop (xrf1)  }
0x67: {  	s5 =	sshra.s32 s15, $0x2;
	[tilespmem:s6+$0x200] =	vst v9  }
0x68: {  	v9 =	vld [tilespmem:s5+$0x0];
	s15 =	spop (v2sf);
	s5 =	smov.u32 s21  }
0x69: {  	_ =	sdelay $0x1  }
0x6a: {  	s5 =	sadd.s32 $0x10, s14  }
0x6b: {  	v10 =	vor.u32 s5, v0  }
0x6c: {  	vm2 =	vle.s32 v10, v8;
	vm1 =	veq.s32 v9, v7  }
0x6d: {  	vm3 =	vgt.s32 v9, v7;
	vm1 =	vmand vm2, vm1  }
0x6e: {  	vm1 =	vmor vm3, vm1  }
0x6f: {  	vm2 =	vmneg vm1  }
0x70: {  	v7 =	vmpcnt.ones.xlane vm2;
	_ =	sdelay $0x1  }
0x71: {  	(v2sf) =	vpush v7, $0x0;
	_ =	sdelay $0x1  }
0x72: {  	v7 =	vsel vm1, $0x1, v3  }
0x73: {  	v8 =	vor.u32 s5, v1;
	v7 =	vor.u32 $0x80000000, v7  }
0x74: {  	(xrf1) =	vsort.ascd.msk.u32 $0xffff, v7, v8;
	_ =	sdelay $0xa  }
0x75: {  	s22 =	sadd.s32 s6, s15;
	s15 =	spop (v2sf)  }
0x76: {  	s14 =	sadd.s32 s22, s15  }
0x77: {  	s6 =	sadd.s32 $0xF, s14  }
0x78: {  	_, v7, _ =	vpop (xrf1);
	s21 =	sand.u32 $0xF, s6  }
0x79: {  	[tilespmem:s22+$0x200] =	vst v7;
	s22 =	sshra.s32 s6, $0x1F;
	p1 =	slt.s32 s6, $0x1;
	p0 =	sne.s32 s21, $0x0  }
0x7a: {  	s5 =	sshrl.u32 s22, $0x1C;
	p0 =	por !p1, !p0  }
0x7b: {  	s5 =	sadd.s32 s5, s6;
	s6 =	simm.s32 $0x1;
	p0 =	por !p0, !p0  }
0x7c: {  	s5 =	sshra.s32 s5, $0x4;
	s6 =	simm.s32 @!p0 $0x0  }
0x7d: {  	s6 =	ssub.s32 s5, s6  }
0x7e: {  	v7 =	vld.msk [tilespmem:$0x200 ss:$0x0], $0xffff;
	p0 =	slt.s32 s6, $0x1  }
.Ltmp4:
0x7f: {  	_ = 	snop;
	(pc) =	sbr.rel @p0 .LBB2_11-.Ltmp4, $2  }
0x80: {  	_ =	sdelay $0x2  }
0x81: {  	s15 =	simm.s32 $0x200;
	[tilespmem:s14+$0x200] =	vst v7;
	s14 =	rddreg [dreg:$0x8]  }
0x82: {  	v7 =	vld [tilespmem:s15+$0x0];
	_ =	sdelay $0x4  }
0x83: {  	v8 =	vshll.u32 v7, $0x4  }
0x84: {  	v7 =	vand.u32 $0x7, v7;
	v8 =	vand.u32 $0xFFFFFF80, v8  }
0x85: {  	v7 =	vor.u32 v7, v8  }
0x86: {  	v8 =	vperm.xlane v7, v4;
	_ =	sdelay $0x1  }
0x87: {  	v8 =	vadd.s32 v5, v8;
	_ =	sdelay $0x3  }
0x88: {  	s5 =	simm.s32 $0x480  }
0x89: {  	[hbm4b:s2+s3] =	stream.indirect_vreg.scatter [tilespmem:s5], [sflag:$0x1], $0x80, v8, vm0, $0xb8;
	[tilespmem:$0x8580] =	vst v63  }
0x8a: {  	_ = 	snop  }
0x8b: {  	[hbm4b:s7+s3] =	stream.indirect_vreg.scatter [tilespmem:s23], [sflag:$0x1], $0x80, v8, vm0, $0xb8;
	[tilespmem:$0x8580] =	vst v63  }
0x8c: {  	_ = 	snop  }
0x8d: {  	[hbm4b:s8+s3] =	stream.indirect_vreg.scatter [tilespmem:s24], [sflag:$0x1], $0x80, v8, vm0, $0xb8;
	[tilespmem:$0x8580] =	vst v63  }
0x8e: {  	_ = 	snop  }
0x8f: {  	[hbm4b:s9+s3] =	stream.indirect_vreg.scatter [tilespmem:s25], [sflag:$0x1], $0x80, v8, vm0, $0xb8;
	[tilespmem:$0x8580] =	vst v63  }
0x90: {  	_ = 	snop  }
0x91: {  	[hbm4b:s10+s3] =	stream.indirect_vreg.scatter [tilespmem:s26], [sflag:$0x1], $0x80, v8, vm0, $0xb8;
	[tilespmem:$0x8580] =	vst v63  }
0x92: {  	v7 =	vperm.xlane v7, v6  }
0x93: {  	[hbm4b:s11+s3] =	stream.indirect_vreg.scatter [tilespmem:s28], [sflag:$0x1], $0x80, v8, vm0, $0xb8;
	[tilespmem:$0x8580] =	vst v63  }
0x94: {  	v7 =	vadd.s32 v5, v7  }
0x95: {  	[hbm4b:s12+s3] =	stream.indirect_vreg.scatter [tilespmem:s29], [sflag:$0x1], $0x80, v8, vm0, $0xb8;
	[tilespmem:$0x8580] =	vst v63  }
0x96: {  	_ = 	snop  }
0x97: {  	[hbm4b:s13+s3] =	stream.indirect_vreg.scatter [tilespmem:s30], [sflag:$0x1], $0x80, v8, vm0, $0xb8;
	[tilespmem:$0x8580] =	vst v63  }
0x98: {  	_ = 	snop  }
0x99: {  	[hbm4b:s2+s3] =	stream.indirect_vreg.scatter [tilespmem:s31], [sflag:$0x1], $0x80, v7, vm0, $0xb8;
	[tilespmem:$0x8580] =	vst v63  }
0x9a: {  	_ = 	snop  }
0x9b: {  	[hbm4b:s7+s3] =	stream.indirect_vreg.scatter [tilespmem:s0], [sflag:$0x1], $0x80, v7, vm0, $0xb8;
	[tilespmem:$0x8580] =	vst v63  }
0x9c: {  	_ = 	snop  }
0x9d: {  	[hbm4b:s8+s3] =	stream.indirect_vreg.scatter [tilespmem:s1], [sflag:$0x1], $0x80, v7, vm0, $0xb8;
	[tilespmem:$0x8580] =	vst v63  }
0x9e: {  	_ = 	snop  }
0x9f: {  	[hbm4b:s9+s3] =	stream.indirect_vreg.scatter [tilespmem:s16], [sflag:$0x1], $0x80, v7, vm0, $0xb8;
	[tilespmem:$0x8580] =	vst v63  }
0xa0: {  	p0 =	sne.s32 s6, $0x1  }
0xa1: {  	[hbm4b:s10+s3] =	stream.indirect_vreg.scatter [tilespmem:s17], [sflag:$0x1], $0x80, v7, vm0, $0xb8;
	[tilespmem:$0x8580] =	vst v63  }
.Ltmp5:
0xa2: {  	_ = 	snop;
	(pc) =	sbr.rel @!p0 .LBB2_8-.Ltmp5, $4  }
0xa3: {  	_ = 	snop  }
0xa4: {  	[hbm4b:s11+s3] =	stream.indirect_vreg.scatter [tilespmem:s18], [sflag:$0x1], $0x80, v7, vm0, $0xb8;
	[tilespmem:$0x8580] =	vst v63  }
0xa5: {  	s14 =	sadd.s32 $0xFFFFFFFF, s6;
	s15 =	sadd.s32 $0x10, s15  }
0xa6: {  	[hbm4b:s12+s3] =	stream.indirect_vreg.scatter [tilespmem:s19], [sflag:$0x1], $0x80, v7, vm0, $0xb8;
	[tilespmem:$0x8580] =	vst v63  }
.LBB2_7:
0xa7: {  	[hbm4b:s13+s3] =	stream.indirect_vreg.scatter [tilespmem:s4], [sflag:$0x1], $0x80, v7, vm0, $0xb8;
	[tilespmem:$0x8580] =	vst v63  }
0xa8: {  	p0 =	sne.s32 s14, $0x1;
	s14 =	sadd.s32 $0xFFFFFFFF, s14;
	v7 =	vld [tilespmem:s15+$0x0];
	_ =	sdelay $0x4  }
0xa9: {  	v8 =	vshll.u32 v7, $0x4  }
0xaa: {  	v7 =	vand.u32 $0x7, v7;
	v8 =	vand.u32 $0xFFFFFF80, v8  }
0xab: {  	v7 =	vor.u32 v7, v8  }
0xac: {  	v8 =	vperm.xlane v7, v4;
	v7 =	vperm.xlane v7, v6;
	_ =	sdelay $0x1  }
0xad: {  	v8 =	vadd.s32 v5, v8;
	_ =	sdelay $0x4  }
0xae: {  	[hbm4b:s2+s3] =	stream.indirect_vreg.scatter [tilespmem:s5], [sflag:$0x1], $0x80, v8, vm0, $0xb8;
	[tilespmem:$0x8580] =	vst v63  }
0xaf: {  	_ = 	snop  }
0xb0: {  	[hbm4b:s7+s3] =	stream.indirect_vreg.scatter [tilespmem:s23], [sflag:$0x1], $0x80, v8, vm0, $0xb8;
	[tilespmem:$0x8580] =	vst v63  }
0xb1: {  	_ = 	snop  }
0xb2: {  	[hbm4b:s8+s3] =	stream.indirect_vreg.scatter [tilespmem:s24], [sflag:$0x1], $0x80, v8, vm0, $0xb8;
	[tilespmem:$0x8580] =	vst v63  }
0xb3: {  	_ = 	snop  }
0xb4: {  	[hbm4b:s9+s3] =	stream.indirect_vreg.scatter [tilespmem:s25], [sflag:$0x1], $0x80, v8, vm0, $0xb8;
	[tilespmem:$0x8580] =	vst v63  }
0xb5: {  	_ = 	snop  }
0xb6: {  	[hbm4b:s10+s3] =	stream.indirect_vreg.scatter [tilespmem:s26], [sflag:$0x1], $0x80, v8, vm0, $0xb8;
	[tilespmem:$0x8580] =	vst v63  }
0xb7: {  	_ = 	snop  }
0xb8: {  	[hbm4b:s11+s3] =	stream.indirect_vreg.scatter [tilespmem:s28], [sflag:$0x1], $0x80, v8, vm0, $0xb8;
	[tilespmem:$0x8580] =	vst v63  }
0xb9: {  	v7 =	vadd.s32 v5, v7  }
0xba: {  	[hbm4b:s12+s3] =	stream.indirect_vreg.scatter [tilespmem:s29], [sflag:$0x1], $0x80, v8, vm0, $0xb8;
	[tilespmem:$0x8580] =	vst v63  }
0xbb: {  	_ = 	snop  }
0xbc: {  	[hbm4b:s13+s3] =	stream.indirect_vreg.scatter [tilespmem:s30], [sflag:$0x1], $0x80, v8, vm0, $0xb8;
	[tilespmem:$0x8580] =	vst v63  }
0xbd: {  	_ = 	snop  }
0xbe: {  	[hbm4b:s2+s3] =	stream.indirect_vreg.scatter [tilespmem:s31], [sflag:$0x1], $0x80, v7, vm0, $0xb8;
	[tilespmem:$0x8580] =	vst v63  }
0xbf: {  	_ = 	snop  }
0xc0: {  	[hbm4b:s7+s3] =	stream.indirect_vreg.scatter [tilespmem:s0], [sflag:$0x1], $0x80, v7, vm0, $0xb8;
	[tilespmem:$0x8580] =	vst v63  }
0xc1: {  	_ = 	snop  }
0xc2: {  	[hbm4b:s8+s3] =	stream.indirect_vreg.scatter [tilespmem:s1], [sflag:$0x1], $0x80, v7, vm0, $0xb8;
	[tilespmem:$0x8580] =	vst v63  }
0xc3: {  	_ = 	snop  }
0xc4: {  	[hbm4b:s9+s3] =	stream.indirect_vreg.scatter [tilespmem:s16], [sflag:$0x1], $0x80, v7, vm0, $0xb8;
	[tilespmem:$0x8580] =	vst v63  }
0xc5: {  	_ = 	snop  }
0xc6: {  	[hbm4b:s10+s3] =	stream.indirect_vreg.scatter [tilespmem:s17], [sflag:$0x1], $0x80, v7, vm0, $0xb8;
	[tilespmem:$0x8580] =	vst v63  }
.Ltmp6:
0xc7: {  	(pc) =	sbr.rel @p0 .LBB2_7-.Ltmp6, $4  }
0xc8: {  	[hbm4b:s11+s3] =	stream.indirect_vreg.scatter [tilespmem:s18], [sflag:$0x1], $0x80, v7, vm0, $0xb8;
	[tilespmem:$0x8580] =	vst v63  }
0xc9: {  	_ = 	snop  }
0xca: {  	[hbm4b:s12+s3] =	stream.indirect_vreg.scatter [tilespmem:s19], [sflag:$0x1], $0x80, v7, vm0, $0xb8;
	[tilespmem:$0x8580] =	vst v63  }
0xcb: {  	s15 =	sadd.s32 $0x10, s15  }
.LBB2_8:
0xcc: {  	_ = 	snop  }
0xcd: {  	p0 =	sne.s32 s6, $0x1  }
.Ltmp7:
0xce: {  	_ = 	snop;
	(pc) =	sbr.rel @!p0 .LBB2_10-.Ltmp7, $4  }
0xcf: {  	_ = 	snop  }
0xd0: {  	[hbm4b:s13+s3] =	stream.indirect_vreg.scatter [tilespmem:s4], [sflag:$0x1], $0x80, v7, vm0, $0xb8;
	[tilespmem:$0x8580] =	vst v63  }
0xd1: {  	_ =	swait.ge [sflag:s20], $0x8000  }
0xd2: {  	s6 =	sadd.s32 $0xFFFFFFFF, s6;
	[sflag:s20] =	ssyncset.done $0x0  }
.LBB2_9:
0xd3: {  	p0 =	sne.s32 s6, $0x1;
	s6 =	sadd.s32 $0xFFFFFFFF, s6;
	[sflag:s20] =	ssyncadd.s32 $0xFFFF8000  }
.Ltmp8:
0xd4: {  	(pc) =	sbr.rel @p0 .LBB2_9-.Ltmp8, $3  }
0xd5: {  	_ =	sdelay $0x1  }
0xd6: {  	_ =	swait.ge [sflag:s20], $0x8000  }
0xd7: {  	[sflag:s20] =	ssyncset.done $0x0  }
.Ltmp9:
0xd8: {  	_ = 	snop;
	(pc) =	sbr.rel .LBB2_10-.Ltmp9, $1  }
0xd9: {  	_ =	sdelay $0x3  }
.LBB2_12:
0xda: {  	_ =	sfence.sel $0x180000  }
0xdb: {  	[bflag:$0x0] =	sbarrier.arrive $0xFFFF  }
0xdc: {  	_ =	strace $0x90000047  }
0xdd: {  	s0 =	stileid.u32;
	[bflag:$0x2] =	sbarrier.arrive $0xFFFF  }
0xde: {  	p0 =	sne.s32 s0, $0x0;
	s0 =	rddreg [dreg:$0x2]  }
0xdf: {  	s0 =	sadd.s32 @!p0 $0x100000, s0  }
0xe0: {  	[sflag:s0] =	ssyncadd.tile.s32 @!p0 $0x1;
	_ =	shalt  }
.Lfunc_end2:
_tile_overlayer_lowered:
.L_overlay_start_2:
0xe1: {  	(tag) =	ssettag $0x2  }
0xe2: {  	s0 =	rddreg [dreg:$0x0];
	s2 =	stileid.u32  }
0xe3: {  	s1 =	rddreg [dreg:$0x1];
	p0 =	sne.s32 s2, $0x0  }
0xe4: {  	s3 =	rddreg [dreg:$0x2];
	[bflag:$0x3] =	sbarrier.arrive $0xFFFF;
	s2 =	simm.s32 @!p0 $0x1C03  }
0xe5: {  	[timem:s3], [sflag:s2] =	dma.local @!p0 [hbm:s0], s1  }
0xe6: {  	s0 =	simm.s32 @!p0 $0x3  }
0xe7: {  	_ =	swait.ge @!p0 [sflag:s0], s1  }
0xe8: {  	s1 =	ssub.s32 @!p0 $0x0, s1;
	[sflag:s0] =	ssyncset.done @!p0 $0x0  }
0xe9: {  	[sflag:s0] =	ssyncadd.s32 @!p0 s1  }
0xea: {  	[bflag:$0x3] =	sbarrier.arrive $0xFFFF  }
0xeb: {  	_ =	shalt  }

</sc_bundles>
